<compile_context>
chip_gen: v7x
topology: tpu7x:2x2x1
jax: 0.10.2.dev20260603
libtpu: 0.0.44.dev20260713+nightly
codegen_flags: <defaults>
</compile_context>

<pallas_src>
import functools

import jax
import jax.numpy as jnp
from jax.experimental import pallas as pl
from jax.experimental.pallas import tpu as pltpu


def _body(ct_ref, h_ref, aw_ref, as_ref, nb_ref, out_ref, s_acc, c_acc,
          *, num_blocks, nk):
    i = pl.program_id(0)

    @pl.when(i == 0)
    def _init():
        s_acc[...] = jnp.zeros_like(s_acc)
        c_acc[...] = jnp.zeros_like(c_acc)

    ct = ct_ref[0, 0]

    aw = aw_ref[...]
    br, c = aw.shape

    m = jnp.max(aw, axis=1, keepdims=True)
    e = jnp.exp(aw - m)
    s = jnp.sum(e, axis=1, keepdims=True)
    wap = e / s
    maxp = jnp.max(wap, axis=1, keepdims=True)
    maskf = (maxp > ct).astype(jnp.float32)

    colid = jax.lax.broadcasted_iota(jnp.int32, (br, c), 1)
    tgt = jnp.min(jnp.where(wap == maxp, colid, c), axis=1, keepdims=True)
    onehot = (colid == tgt).astype(jnp.float32)
    c_acc[...] += jnp.sum(maskf * onehot, axis=0, keepdims=True)

    awn2 = jnp.sum(aw * aw, axis=1, keepdims=True)
    aw2 = aw * (2.0 * jax.lax.rsqrt(awn2))
    beta_un = jnp.zeros((br, c), jnp.float32)
    for k in range(nk):
        nbk = nb_ref[:, k * c:(k + 1) * c]
        ek = jnp.exp(nbk)
        nsk = jnp.sum(ek, axis=1, keepdims=True)
        nbn2k = jnp.sum(nbk * nbk, axis=1, keepdims=True)
        dotsk = jnp.sum(aw2 * nbk, axis=1, keepdims=True)
        wk = jnp.exp(dotsk * jax.lax.rsqrt(nbn2k))
        beta_un = beta_un + (wk / nsk) * ek
    beta = beta_un / jnp.sum(beta_un, axis=1, keepdims=True)

    t = wap - beta
    t2 = jnp.sum(t * t, axis=1, keepdims=True)
    alpha = jnp.minimum(jnp.maximum(1.0, 1.0 / jnp.sqrt(t2)), 100.0)
    q_un = jnp.exp(alpha * (aw - m))
    q = q_un / jnp.sum(q_un, axis=1, keepdims=True)

    a2 = as_ref[...]
    sse = jnp.sum(jnp.exp(a2), axis=1, keepdims=True)
    logp = a2 - jnp.log(sse)

    s_acc[...] += jnp.sum((maskf * q) * logp, axis=0, keepdims=True)

    @pl.when(i == num_blocks - 1)
    def _finalize():
        counts = c_acc[...]
        n = jnp.sum(counts)
        freq = counts / n
        h = h_ref[0, 0]
        wt = jnp.where(counts > 0, 1.0 / jnp.log(h + freq), 1.0)
        wt = jnp.clip(wt, 1.0, 50.0)
        w_avg = wt / jnp.sum(wt) * jnp.mean(wt)
        out_ref[...] = jnp.reshape(-jnp.sum(w_avg * s_acc[...]) / n, (1, 1))


def kernel(anchors_weak, anchors_strong, neighbors, ct, h):
    b, c = anchors_weak.shape
    nk = neighbors.shape[1]
    br = 512
    num_blocks = b // br
    nk_pad = 24
    nb_flat = jnp.reshape(
        jnp.pad(neighbors, ((0, 0), (0, nk_pad - nk), (0, 0))),
        (b, nk_pad * c))
    ct2 = jnp.reshape(ct.astype(jnp.float32), (1, 1))
    h2 = jnp.reshape(h.astype(jnp.float32), (1, 1))
    out = pl.pallas_call(
        functools.partial(_body, num_blocks=num_blocks, nk=nk),
        grid=(num_blocks,),
        in_specs=[
            pl.BlockSpec(memory_space=pltpu.SMEM),
            pl.BlockSpec(memory_space=pltpu.SMEM),
            pl.BlockSpec((br, c), lambda i: (i, 0)),
            pl.BlockSpec((br, c), lambda i: (i, 0)),
            pl.BlockSpec((br, nk_pad * c), lambda i: (i, 0)),
        ],
        out_specs=pl.BlockSpec((1, 1), lambda i: (0, 0)),
        out_shape=jax.ShapeDtypeStruct((1, 1), jnp.float32),
        scratch_shapes=[
            pltpu.VMEM((1, c), jnp.float32),
            pltpu.VMEM((1, c), jnp.float32),
        ],
        compiler_params=pltpu.CompilerParams(
            dimension_semantics=("arbitrary",)),
    )(ct2, h2, anchors_weak, anchors_strong, nb_flat)
    return out[0, 0]

# --- scband reference (transcript-rebuilt; emitter-appended) ---
"""Pipeline reference for scband-confidence-based-ce-12524124636020 (READ-ONLY COPY).

The authoritative reference and input builder live on the scoring server;
editing this copy changes nothing except your own understanding.
"""

import jax, jax.numpy as jnp
import numpy as np


def setup_inputs(seed: int = 0) -> dict:
    key = jax.random.key(seed)
    k1, k2, k3 = jax.random.split(key, 3)
    b, c, nk = 16384, 128, 20
    return {
        "anchors_weak": jax.random.normal(k1, (b, c), dtype=jnp.float32),
        "anchors_strong": jax.random.normal(k2, (b, c), dtype=jnp.float32),
        "neighbors": jax.random.normal(k3, (b, nk, c), dtype=jnp.float32),
        "ct": jnp.float32(0.0),
        "h": jnp.float32(1.0),
    }


def reference(anchors_weak, anchors_strong, neighbors, ct, h):
    b, c = anchors_weak.shape
    # softmax over weak anchors
    wap = jax.nn.softmax(anchors_weak, axis=1)
    max_prob = jnp.max(wap, axis=1)
    target = jnp.argmax(wap, axis=1)
    mask = max_prob > ct
    n_m = jnp.sum(mask)
    # neighbor-based soft distribution beta
    neighbors_prob = jax.nn.softmax(neighbors, axis=2)
    aw_nl = anchors_weak / jnp.linalg.norm(anchors_weak, axis=1, keepdims=True)
    nb_nl = neighbors / jnp.linalg.norm(neighbors, axis=2, keepdims=True)
    d = jnp.linalg.norm(aw_nl[:, None, :] - nb_nl, axis=2)
    beta = jnp.sum(jnp.exp(-(d ** 2))[:, :, None] * neighbors_prob, axis=1)
    beta = beta / jnp.sum(beta, axis=1, keepdims=True)
    alpha_ = jnp.maximum(jnp.ones_like(max_prob), jnp.linalg.norm(wap - beta, axis=1) ** (-1))
    alpha = jnp.minimum(alpha_, 100.0)
    # sharpened targets q (vectorized form of the per-row loop)
    q = wap ** alpha[:, None]
    q = q / jnp.sum(q, axis=1, keepdims=True)
    # class-balancing weights (apply_class_balancing=True)
    counts = jnp.bincount(jnp.where(mask, target, c), length=c + 1)[:c]
    freq = counts.astype(jnp.float32) / n_m
    weight_ = jnp.where(counts > 0, 1.0 / jnp.log(h + freq), jnp.ones((c,), dtype=jnp.float32))
    weight = jnp.clip(weight_, 1.0, 50.0)
    n = jnp.sum(mask)
    input_prob = jax.nn.log_softmax(anchors_strong, axis=1)
    w_avg = weight[None, :] / jnp.sum(weight) * jnp.mean(weight)
    row_loss = jnp.sum(w_avg * q * input_prob, axis=1)
    loss = -jnp.sum(jnp.where(mask, row_loss, 0.0), axis=0) / n
    return loss

if __name__ == "__main__":
    import jax
    _d = setup_inputs()
    print(jax.jit(kernel)(*tuple(_d.values())))

</pallas_src>

<mosaic_0001>
module attributes {stable_mosaic.version = 14 : i64} {
  func.func @_body(%arg0: i32, %arg1: memref<1x1xf32, #tpu.memory_space<smem>>, %arg2: memref<1x1xf32, #tpu.memory_space<smem>>, %arg3: memref<512x128xf32, #tpu.memory_space<vmem>>, %arg4: memref<512x128xf32, #tpu.memory_space<vmem>>, %arg5: memref<512x3072xf32, #tpu.memory_space<vmem>>, %arg6: memref<1x1xf32, #tpu.memory_space<vmem>>, %arg7: memref<1x128xf32, #tpu.memory_space<vmem>>, %arg8: memref<1x128xf32, #tpu.memory_space<vmem>>) attributes {dimension_semantics = [#tpu.dimension_semantics<arbitrary>], iteration_bounds = array<i64: 32>, scalar_prefetch = 0 : i64, scratch_operands = 2 : i64, tpu.core_type = #tpu.core_type<tc>, window_params = [{transform_indices = @transform_0, window_bounds = array<i64: 1, 1>}, {transform_indices = @transform_1, window_bounds = array<i64: 1, 1>}, {transform_indices = @transform_2, window_bounds = array<i64: 512, 128>}, {transform_indices = @transform_3, window_bounds = array<i64: 512, 128>}, {transform_indices = @transform_4, window_bounds = array<i64: 512, 3072>}, {pipeline_mode = #tpu.pipeline_mode<synchronous>, transform_indices = @transform_5, window_bounds = array<i64: 1, 1>}]} {
    %eq3A = arith.constant 0 : i32
    %eq3A_0 = arith.cmpi eq, %arg0, %eq3A : i32
    %convert_element_type3A = arith.extui %eq3A_0 : i1 to i32
    %cond3A = arith.constant 0 : i32
    %cond3A_1 = arith.cmpi ne, %convert_element_type3A, %cond3A : i32
    scf.if %cond3A_1 {
      %broadcast_in_dim3A_541 = arith.constant 0.000000e+00 : f32
      %broadcast_in_dim3A_542 = vector.broadcast %broadcast_in_dim3A_541 : f32 to vector<1x128xf32>
      %swap3A_543 = arith.constant 0 : index
      %swap3A_544 = arith.constant 0 : index
      %swap3A_545 = vector.load %arg7[%swap3A_543, %swap3A_544] : memref<1x128xf32, #tpu.memory_space<vmem>>, vector<1x128xf32>
      tpu.vector_store %arg7[%swap3A_543, %swap3A_544], %broadcast_in_dim3A_542 {strides = array<i32>} : memref<1x128xf32, #tpu.memory_space<vmem>>, vector<1x128xf32>,
      %broadcast_in_dim3A_546 = arith.constant 0.000000e+00 : f32
      %broadcast_in_dim3A_547 = vector.broadcast %broadcast_in_dim3A_546 : f32 to vector<1x128xf32>
      %swap3A_548 = arith.constant 0 : index
      %swap3A_549 = arith.constant 0 : index
      %swap3A_550 = vector.load %arg8[%swap3A_548, %swap3A_549] : memref<1x128xf32, #tpu.memory_space<vmem>>, vector<1x128xf32>
      tpu.vector_store %arg8[%swap3A_548, %swap3A_549], %broadcast_in_dim3A_547 {strides = array<i32>} : memref<1x128xf32, #tpu.memory_space<vmem>>, vector<1x128xf32>,
    } else {
    }
    %get3A = arith.constant 0 : index
    %get3A_2 = arith.constant 0 : index
    %get3A_3 = memref.load %arg1[%get3A, %get3A_2] : memref<1x1xf32, #tpu.memory_space<smem>>
    %get3A_4 = arith.constant 0 : index
    %get3A_5 = arith.constant 0 : index
    %get3A_6 = vector.load %arg3[%get3A_4, %get3A_5] : memref<512x128xf32, #tpu.memory_space<vmem>>, vector<512x128xf32>
    %reduce_max3A = arith.constant dense<0xFF800000> : vector<512xf32>
    %reduce_max3A_7 = vector.multi_reduction <maximumf>, %get3A_6, %reduce_max3A [1] : vector<512x128xf32> to vector<512xf32>
    %broadcast_in_dim3A = vector.shape_cast %reduce_max3A_7 : vector<512xf32> to vector<512x1xf32>
    %sub3A = vector.broadcast %broadcast_in_dim3A : vector<512x1xf32> to vector<512x128xf32>
    %sub3A_8 = arith.subf %get3A_6, %sub3A : vector<512x128xf32>
    %exp3A = math.exp %sub3A_8 : vector<512x128xf32>
    %reduce_sum3A = arith.constant dense<0.000000e+00> : vector<512xf32>
    %reduce_sum3A_9 = vector.multi_reduction <add>, %exp3A, %reduce_sum3A [1] : vector<512x128xf32> to vector<512xf32>
    %broadcast_in_dim3A_10 = vector.shape_cast %reduce_sum3A_9 : vector<512xf32> to vector<512x1xf32>
    %div3A = vector.broadcast %broadcast_in_dim3A_10 : vector<512x1xf32> to vector<512x128xf32>
    %div3A_11 = arith.divf %exp3A, %div3A : vector<512x128xf32>
    %reduce_max3A_12 = arith.constant dense<0xFF800000> : vector<512xf32>
    %reduce_max3A_13 = vector.multi_reduction <maximumf>, %div3A_11, %reduce_max3A_12 [1] : vector<512x128xf32> to vector<512xf32>
    %broadcast_in_dim3A_14 = vector.shape_cast %reduce_max3A_13 : vector<512xf32> to vector<512x1xf32>
    %gt3A = vector.broadcast %get3A_3 : f32 to vector<512x1xf32>
    %gt3A_15 = arith.cmpf ogt, %broadcast_in_dim3A_14, %gt3A : vector<512x1xf32>
    %convert_element_type3A_16 = arith.extui %gt3A_15 : vector<512x1xi1> to vector<512x1xi32>
    %convert_element_type3A_17 = arith.sitofp %convert_element_type3A_16 : vector<512x1xi32> to vector<512x1xf32>
    %iota3A = tpu.iota {dimensions = array<i32: 1>} : vector<512x128xi32>
    %eq3A_18 = vector.broadcast %broadcast_in_dim3A_14 : vector<512x1xf32> to vector<512x128xf32>
    %eq3A_19 = arith.cmpf oeq, %div3A_11, %eq3A_18 : vector<512x128xf32>
    %jit3A = arith.constant 128 : i32
    %broadcast_in_dim3A_20 = vector.broadcast %jit3A : i32 to vector<512x128xi32>
    %select_n3A = arith.select %eq3A_19, %iota3A, %broadcast_in_dim3A_20 : vector<512x128xi1>, vector<512x128xi32>
    %reduce_min3A = arith.constant dense<2147483647> : vector<512xi32>
    %reduce_min3A_21 = vector.multi_reduction <minsi>, %select_n3A, %reduce_min3A [1] : vector<512x128xi32> to vector<512xi32>
    %broadcast_in_dim3A_22 = vector.shape_cast %reduce_min3A_21 : vector<512xi32> to vector<512x1xi32>
    %eq3A_23 = vector.broadcast %broadcast_in_dim3A_22 : vector<512x1xi32> to vector<512x128xi32>
    %eq3A_24 = arith.cmpi eq, %iota3A, %eq3A_23 : vector<512x128xi32>
    %convert_element_type3A_25 = arith.extui %eq3A_24 : vector<512x128xi1> to vector<512x128xi32>
    %convert_element_type3A_26 = arith.sitofp %convert_element_type3A_25 : vector<512x128xi32> to vector<512x128xf32>
    %get3A_27 = arith.constant 0 : index
    %get3A_28 = arith.constant 0 : index
    %get3A_29 = vector.load %arg8[%get3A_27, %get3A_28] : memref<1x128xf32, #tpu.memory_space<vmem>>, vector<1x128xf32>
    %mul3A = vector.broadcast %convert_element_type3A_17 : vector<512x1xf32> to vector<512x128xf32>
    %mul3A_30 = arith.mulf %mul3A, %convert_element_type3A_26 : vector<512x128xf32>
    %reduce_sum3A_31 = arith.constant dense<0.000000e+00> : vector<128xf32>
    %reduce_sum3A_32 = vector.multi_reduction <add>, %mul3A_30, %reduce_sum3A_31 [0] : vector<512x128xf32> to vector<128xf32>
    %broadcast_in_dim3A_33 = vector.shape_cast %reduce_sum3A_32 : vector<128xf32> to vector<1x128xf32>
    %add3A = arith.addf %get3A_29, %broadcast_in_dim3A_33 : vector<1x128xf32>
    %swap3A = arith.constant 0 : index
    %swap3A_34 = arith.constant 0 : index
    %swap3A_35 = vector.load %arg8[%swap3A, %swap3A_34] : memref<1x128xf32, #tpu.memory_space<vmem>>, vector<1x128xf32>
    tpu.vector_store %arg8[%swap3A, %swap3A_34], %add3A {strides = array<i32>} : memref<1x128xf32, #tpu.memory_space<vmem>>, vector<1x128xf32>,
    %mul3A_36 = arith.mulf %get3A_6, %get3A_6 : vector<512x128xf32>
    %reduce_sum3A_37 = arith.constant dense<0.000000e+00> : vector<512xf32>
    %reduce_sum3A_38 = vector.multi_reduction <add>, %mul3A_36, %reduce_sum3A_37 [1] : vector<512x128xf32> to vector<512xf32>
    %broadcast_in_dim3A_39 = vector.shape_cast %reduce_sum3A_38 : vector<512xf32> to vector<512x1xf32>
    %rsqrt3A = math.rsqrt %broadcast_in_dim3A_39 : vector<512x1xf32>
    %mul3A_40 = arith.constant 2.000000e+00 : f32
    %mul3A_41 = vector.broadcast %mul3A_40 : f32 to vector<512x1xf32>
    %mul3A_42 = arith.mulf %mul3A_41, %rsqrt3A : vector<512x1xf32>
    %mul3A_43 = vector.broadcast %mul3A_42 : vector<512x1xf32> to vector<512x128xf32>
    %mul3A_44 = arith.mulf %get3A_6, %mul3A_43 : vector<512x128xf32>
    %broadcast_in_dim3A_45 = arith.constant 0.000000e+00 : f32
    %broadcast_in_dim3A_46 = vector.broadcast %broadcast_in_dim3A_45 : f32 to vector<512x128xf32>
    %get3A_47 = arith.constant 0 : index
    %get3A_48 = arith.constant 0 : index
    %get3A_49 = vector.load %arg5[%get3A_47, %get3A_48] : memref<512x3072xf32, #tpu.memory_space<vmem>>, vector<512x128xf32>
    %exp3A_50 = math.exp %get3A_49 : vector<512x128xf32>
    %reduce_sum3A_51 = arith.constant dense<0.000000e+00> : vector<512xf32>
    %reduce_sum3A_52 = vector.multi_reduction <add>, %exp3A_50, %reduce_sum3A_51 [1] : vector<512x128xf32> to vector<512xf32>
    %broadcast_in_dim3A_53 = vector.shape_cast %reduce_sum3A_52 : vector<512xf32> to vector<512x1xf32>
    %mul3A_54 = arith.mulf %get3A_49, %get3A_49 : vector<512x128xf32>
    %reduce_sum3A_55 = arith.constant dense<0.000000e+00> : vector<512xf32>
    %reduce_sum3A_56 = vector.multi_reduction <add>, %mul3A_54, %reduce_sum3A_55 [1] : vector<512x128xf32> to vector<512xf32>
    %broadcast_in_dim3A_57 = vector.shape_cast %reduce_sum3A_56 : vector<512xf32> to vector<512x1xf32>
    %mul3A_58 = arith.mulf %mul3A_44, %get3A_49 : vector<512x128xf32>
    %reduce_sum3A_59 = arith.constant dense<0.000000e+00> : vector<512xf32>
    %reduce_sum3A_60 = vector.multi_reduction <add>, %mul3A_58, %reduce_sum3A_59 [1] : vector<512x128xf32> to vector<512xf32>
    %broadcast_in_dim3A_61 = vector.shape_cast %reduce_sum3A_60 : vector<512xf32> to vector<512x1xf32>
    %rsqrt3A_62 = math.rsqrt %broadcast_in_dim3A_57 : vector<512x1xf32>
    %mul3A_63 = arith.mulf %broadcast_in_dim3A_61, %rsqrt3A_62 : vector<512x1xf32>
    %exp3A_64 = math.exp %mul3A_63 : vector<512x1xf32>
    %div3A_65 = arith.divf %exp3A_64, %broadcast_in_dim3A_53 : vector<512x1xf32>
    %mul3A_66 = vector.broadcast %div3A_65 : vector<512x1xf32> to vector<512x128xf32>
    %mul3A_67 = arith.mulf %mul3A_66, %exp3A_50 : vector<512x128xf32>
    %add3A_68 = arith.addf %broadcast_in_dim3A_46, %mul3A_67 : vector<512x128xf32>
    %get3A_69 = arith.constant 0 : index
    %get3A_70 = arith.constant 128 : index
    %get3A_71 = vector.load %arg5[%get3A_69, %get3A_70] : memref<512x3072xf32, #tpu.memory_space<vmem>>, vector<512x128xf32>
    %exp3A_72 = math.exp %get3A_71 : vector<512x128xf32>
    %reduce_sum3A_73 = arith.constant dense<0.000000e+00> : vector<512xf32>
    %reduce_sum3A_74 = vector.multi_reduction <add>, %exp3A_72, %reduce_sum3A_73 [1] : vector<512x128xf32> to vector<512xf32>
    %broadcast_in_dim3A_75 = vector.shape_cast %reduce_sum3A_74 : vector<512xf32> to vector<512x1xf32>
    %mul3A_76 = arith.mulf %get3A_71, %get3A_71 : vector<512x128xf32>
    %reduce_sum3A_77 = arith.constant dense<0.000000e+00> : vector<512xf32>
    %reduce_sum3A_78 = vector.multi_reduction <add>, %mul3A_76, %reduce_sum3A_77 [1] : vector<512x128xf32> to vector<512xf32>
    %broadcast_in_dim3A_79 = vector.shape_cast %reduce_sum3A_78 : vector<512xf32> to vector<512x1xf32>
    %mul3A_80 = arith.mulf %mul3A_44, %get3A_71 : vector<512x128xf32>
    %reduce_sum3A_81 = arith.constant dense<0.000000e+00> : vector<512xf32>
    %reduce_sum3A_82 = vector.multi_reduction <add>, %mul3A_80, %reduce_sum3A_81 [1] : vector<512x128xf32> to vector<512xf32>
    %broadcast_in_dim3A_83 = vector.shape_cast %reduce_sum3A_82 : vector<512xf32> to vector<512x1xf32>
    %rsqrt3A_84 = math.rsqrt %broadcast_in_dim3A_79 : vector<512x1xf32>
    %mul3A_85 = arith.mulf %broadcast_in_dim3A_83, %rsqrt3A_84 : vector<512x1xf32>
    %exp3A_86 = math.exp %mul3A_85 : vector<512x1xf32>
    %div3A_87 = arith.divf %exp3A_86, %broadcast_in_dim3A_75 : vector<512x1xf32>
    %mul3A_88 = vector.broadcast %div3A_87 : vector<512x1xf32> to vector<512x128xf32>
    %mul3A_89 = arith.mulf %mul3A_88, %exp3A_72 : vector<512x128xf32>
    %add3A_90 = arith.addf %add3A_68, %mul3A_89 : vector<512x128xf32>
    %get3A_91 = arith.constant 0 : index
    %get3A_92 = arith.constant 256 : index
    %get3A_93 = vector.load %arg5[%get3A_91, %get3A_92] : memref<512x3072xf32, #tpu.memory_space<vmem>>, vector<512x128xf32>
    %exp3A_94 = math.exp %get3A_93 : vector<512x128xf32>
    %reduce_sum3A_95 = arith.constant dense<0.000000e+00> : vector<512xf32>
    %reduce_sum3A_96 = vector.multi_reduction <add>, %exp3A_94, %reduce_sum3A_95 [1] : vector<512x128xf32> to vector<512xf32>
    %broadcast_in_dim3A_97 = vector.shape_cast %reduce_sum3A_96 : vector<512xf32> to vector<512x1xf32>
    %mul3A_98 = arith.mulf %get3A_93, %get3A_93 : vector<512x128xf32>
    %reduce_sum3A_99 = arith.constant dense<0.000000e+00> : vector<512xf32>
    %reduce_sum3A_100 = vector.multi_reduction <add>, %mul3A_98, %reduce_sum3A_99 [1] : vector<512x128xf32> to vector<512xf32>
    %broadcast_in_dim3A_101 = vector.shape_cast %reduce_sum3A_100 : vector<512xf32> to vector<512x1xf32>
    %mul3A_102 = arith.mulf %mul3A_44, %get3A_93 : vector<512x128xf32>
    %reduce_sum3A_103 = arith.constant dense<0.000000e+00> : vector<512xf32>
    %reduce_sum3A_104 = vector.multi_reduction <add>, %mul3A_102, %reduce_sum3A_103 [1] : vector<512x128xf32> to vector<512xf32>
    %broadcast_in_dim3A_105 = vector.shape_cast %reduce_sum3A_104 : vector<512xf32> to vector<512x1xf32>
    %rsqrt3A_106 = math.rsqrt %broadcast_in_dim3A_101 : vector<512x1xf32>
    %mul3A_107 = arith.mulf %broadcast_in_dim3A_105, %rsqrt3A_106 : vector<512x1xf32>
    %exp3A_108 = math.exp %mul3A_107 : vector<512x1xf32>
    %div3A_109 = arith.divf %exp3A_108, %broadcast_in_dim3A_97 : vector<512x1xf32>
    %mul3A_110 = vector.broadcast %div3A_109 : vector<512x1xf32> to vector<512x128xf32>
    %mul3A_111 = arith.mulf %mul3A_110, %exp3A_94 : vector<512x128xf32>
    %add3A_112 = arith.addf %add3A_90, %mul3A_111 : vector<512x128xf32>
    %get3A_113 = arith.constant 0 : index
    %get3A_114 = arith.constant 384 : index
    %get3A_115 = vector.load %arg5[%get3A_113, %get3A_114] : memref<512x3072xf32, #tpu.memory_space<vmem>>, vector<512x128xf32>
    %exp3A_116 = math.exp %get3A_115 : vector<512x128xf32>
    %reduce_sum3A_117 = arith.constant dense<0.000000e+00> : vector<512xf32>
    %reduce_sum3A_118 = vector.multi_reduction <add>, %exp3A_116, %reduce_sum3A_117 [1] : vector<512x128xf32> to vector<512xf32>
    %broadcast_in_dim3A_119 = vector.shape_cast %reduce_sum3A_118 : vector<512xf32> to vector<512x1xf32>
    %mul3A_120 = arith.mulf %get3A_115, %get3A_115 : vector<512x128xf32>
    %reduce_sum3A_121 = arith.constant dense<0.000000e+00> : vector<512xf32>
    %reduce_sum3A_122 = vector.multi_reduction <add>, %mul3A_120, %reduce_sum3A_121 [1] : vector<512x128xf32> to vector<512xf32>
    %broadcast_in_dim3A_123 = vector.shape_cast %reduce_sum3A_122 : vector<512xf32> to vector<512x1xf32>
    %mul3A_124 = arith.mulf %mul3A_44, %get3A_115 : vector<512x128xf32>
    %reduce_sum3A_125 = arith.constant dense<0.000000e+00> : vector<512xf32>
    %reduce_sum3A_126 = vector.multi_reduction <add>, %mul3A_124, %reduce_sum3A_125 [1] : vector<512x128xf32> to vector<512xf32>
    %broadcast_in_dim3A_127 = vector.shape_cast %reduce_sum3A_126 : vector<512xf32> to vector<512x1xf32>
    %rsqrt3A_128 = math.rsqrt %broadcast_in_dim3A_123 : vector<512x1xf32>
    %mul3A_129 = arith.mulf %broadcast_in_dim3A_127, %rsqrt3A_128 : vector<512x1xf32>
    %exp3A_130 = math.exp %mul3A_129 : vector<512x1xf32>
    %div3A_131 = arith.divf %exp3A_130, %broadcast_in_dim3A_119 : vector<512x1xf32>
    %mul3A_132 = vector.broadcast %div3A_131 : vector<512x1xf32> to vector<512x128xf32>
    %mul3A_133 = arith.mulf %mul3A_132, %exp3A_116 : vector<512x128xf32>
    %add3A_134 = arith.addf %add3A_112, %mul3A_133 : vector<512x128xf32>
    %get3A_135 = arith.constant 0 : index
    %get3A_136 = arith.constant 512 : index
    %get3A_137 = vector.load %arg5[%get3A_135, %get3A_136] : memref<512x3072xf32, #tpu.memory_space<vmem>>, vector<512x128xf32>
    %exp3A_138 = math.exp %get3A_137 : vector<512x128xf32>
    %reduce_sum3A_139 = arith.constant dense<0.000000e+00> : vector<512xf32>
    %reduce_sum3A_140 = vector.multi_reduction <add>, %exp3A_138, %reduce_sum3A_139 [1] : vector<512x128xf32> to vector<512xf32>
    %broadcast_in_dim3A_141 = vector.shape_cast %reduce_sum3A_140 : vector<512xf32> to vector<512x1xf32>
    %mul3A_142 = arith.mulf %get3A_137, %get3A_137 : vector<512x128xf32>
    %reduce_sum3A_143 = arith.constant dense<0.000000e+00> : vector<512xf32>
    %reduce_sum3A_144 = vector.multi_reduction <add>, %mul3A_142, %reduce_sum3A_143 [1] : vector<512x128xf32> to vector<512xf32>
    %broadcast_in_dim3A_145 = vector.shape_cast %reduce_sum3A_144 : vector<512xf32> to vector<512x1xf32>
    %mul3A_146 = arith.mulf %mul3A_44, %get3A_137 : vector<512x128xf32>
    %reduce_sum3A_147 = arith.constant dense<0.000000e+00> : vector<512xf32>
    %reduce_sum3A_148 = vector.multi_reduction <add>, %mul3A_146, %reduce_sum3A_147 [1] : vector<512x128xf32> to vector<512xf32>
    %broadcast_in_dim3A_149 = vector.shape_cast %reduce_sum3A_148 : vector<512xf32> to vector<512x1xf32>
    %rsqrt3A_150 = math.rsqrt %broadcast_in_dim3A_145 : vector<512x1xf32>
    %mul3A_151 = arith.mulf %broadcast_in_dim3A_149, %rsqrt3A_150 : vector<512x1xf32>
    %exp3A_152 = math.exp %mul3A_151 : vector<512x1xf32>
    %div3A_153 = arith.divf %exp3A_152, %broadcast_in_dim3A_141 : vector<512x1xf32>
    %mul3A_154 = vector.broadcast %div3A_153 : vector<512x1xf32> to vector<512x128xf32>
    %mul3A_155 = arith.mulf %mul3A_154, %exp3A_138 : vector<512x128xf32>
    %add3A_156 = arith.addf %add3A_134, %mul3A_155 : vector<512x128xf32>
    %get3A_157 = arith.constant 0 : index
    %get3A_158 = arith.constant 640 : index
    %get3A_159 = vector.load %arg5[%get3A_157, %get3A_158] : memref<512x3072xf32, #tpu.memory_space<vmem>>, vector<512x128xf32>
    %exp3A_160 = math.exp %get3A_159 : vector<512x128xf32>
    %reduce_sum3A_161 = arith.constant dense<0.000000e+00> : vector<512xf32>
    %reduce_sum3A_162 = vector.multi_reduction <add>, %exp3A_160, %reduce_sum3A_161 [1] : vector<512x128xf32> to vector<512xf32>
    %broadcast_in_dim3A_163 = vector.shape_cast %reduce_sum3A_162 : vector<512xf32> to vector<512x1xf32>
    %mul3A_164 = arith.mulf %get3A_159, %get3A_159 : vector<512x128xf32>
    %reduce_sum3A_165 = arith.constant dense<0.000000e+00> : vector<512xf32>
    %reduce_sum3A_166 = vector.multi_reduction <add>, %mul3A_164, %reduce_sum3A_165 [1] : vector<512x128xf32> to vector<512xf32>
    %broadcast_in_dim3A_167 = vector.shape_cast %reduce_sum3A_166 : vector<512xf32> to vector<512x1xf32>
    %mul3A_168 = arith.mulf %mul3A_44, %get3A_159 : vector<512x128xf32>
    %reduce_sum3A_169 = arith.constant dense<0.000000e+00> : vector<512xf32>
    %reduce_sum3A_170 = vector.multi_reduction <add>, %mul3A_168, %reduce_sum3A_169 [1] : vector<512x128xf32> to vector<512xf32>
    %broadcast_in_dim3A_171 = vector.shape_cast %reduce_sum3A_170 : vector<512xf32> to vector<512x1xf32>
    %rsqrt3A_172 = math.rsqrt %broadcast_in_dim3A_167 : vector<512x1xf32>
    %mul3A_173 = arith.mulf %broadcast_in_dim3A_171, %rsqrt3A_172 : vector<512x1xf32>
    %exp3A_174 = math.exp %mul3A_173 : vector<512x1xf32>
    %div3A_175 = arith.divf %exp3A_174, %broadcast_in_dim3A_163 : vector<512x1xf32>
    %mul3A_176 = vector.broadcast %div3A_175 : vector<512x1xf32> to vector<512x128xf32>
    %mul3A_177 = arith.mulf %mul3A_176, %exp3A_160 : vector<512x128xf32>
    %add3A_178 = arith.addf %add3A_156, %mul3A_177 : vector<512x128xf32>
    %get3A_179 = arith.constant 0 : index
    %get3A_180 = arith.constant 768 : index
    %get3A_181 = vector.load %arg5[%get3A_179, %get3A_180] : memref<512x3072xf32, #tpu.memory_space<vmem>>, vector<512x128xf32>
    %exp3A_182 = math.exp %get3A_181 : vector<512x128xf32>
    %reduce_sum3A_183 = arith.constant dense<0.000000e+00> : vector<512xf32>
    %reduce_sum3A_184 = vector.multi_reduction <add>, %exp3A_182, %reduce_sum3A_183 [1] : vector<512x128xf32> to vector<512xf32>
    %broadcast_in_dim3A_185 = vector.shape_cast %reduce_sum3A_184 : vector<512xf32> to vector<512x1xf32>
    %mul3A_186 = arith.mulf %get3A_181, %get3A_181 : vector<512x128xf32>
    %reduce_sum3A_187 = arith.constant dense<0.000000e+00> : vector<512xf32>
    %reduce_sum3A_188 = vector.multi_reduction <add>, %mul3A_186, %reduce_sum3A_187 [1] : vector<512x128xf32> to vector<512xf32>
    %broadcast_in_dim3A_189 = vector.shape_cast %reduce_sum3A_188 : vector<512xf32> to vector<512x1xf32>
    %mul3A_190 = arith.mulf %mul3A_44, %get3A_181 : vector<512x128xf32>
    %reduce_sum3A_191 = arith.constant dense<0.000000e+00> : vector<512xf32>
    %reduce_sum3A_192 = vector.multi_reduction <add>, %mul3A_190, %reduce_sum3A_191 [1] : vector<512x128xf32> to vector<512xf32>
    %broadcast_in_dim3A_193 = vector.shape_cast %reduce_sum3A_192 : vector<512xf32> to vector<512x1xf32>
    %rsqrt3A_194 = math.rsqrt %broadcast_in_dim3A_189 : vector<512x1xf32>
    %mul3A_195 = arith.mulf %broadcast_in_dim3A_193, %rsqrt3A_194 : vector<512x1xf32>
    %exp3A_196 = math.exp %mul3A_195 : vector<512x1xf32>
    %div3A_197 = arith.divf %exp3A_196, %broadcast_in_dim3A_185 : vector<512x1xf32>
    %mul3A_198 = vector.broadcast %div3A_197 : vector<512x1xf32> to vector<512x128xf32>
    %mul3A_199 = arith.mulf %mul3A_198, %exp3A_182 : vector<512x128xf32>
    %add3A_200 = arith.addf %add3A_178, %mul3A_199 : vector<512x128xf32>
    %get3A_201 = arith.constant 0 : index
    %get3A_202 = arith.constant 896 : index
    %get3A_203 = vector.load %arg5[%get3A_201, %get3A_202] : memref<512x3072xf32, #tpu.memory_space<vmem>>, vector<512x128xf32>
    %exp3A_204 = math.exp %get3A_203 : vector<512x128xf32>
    %reduce_sum3A_205 = arith.constant dense<0.000000e+00> : vector<512xf32>
    %reduce_sum3A_206 = vector.multi_reduction <add>, %exp3A_204, %reduce_sum3A_205 [1] : vector<512x128xf32> to vector<512xf32>
    %broadcast_in_dim3A_207 = vector.shape_cast %reduce_sum3A_206 : vector<512xf32> to vector<512x1xf32>
    %mul3A_208 = arith.mulf %get3A_203, %get3A_203 : vector<512x128xf32>
    %reduce_sum3A_209 = arith.constant dense<0.000000e+00> : vector<512xf32>
    %reduce_sum3A_210 = vector.multi_reduction <add>, %mul3A_208, %reduce_sum3A_209 [1] : vector<512x128xf32> to vector<512xf32>
    %broadcast_in_dim3A_211 = vector.shape_cast %reduce_sum3A_210 : vector<512xf32> to vector<512x1xf32>
    %mul3A_212 = arith.mulf %mul3A_44, %get3A_203 : vector<512x128xf32>
    %reduce_sum3A_213 = arith.constant dense<0.000000e+00> : vector<512xf32>
    %reduce_sum3A_214 = vector.multi_reduction <add>, %mul3A_212, %reduce_sum3A_213 [1] : vector<512x128xf32> to vector<512xf32>
    %broadcast_in_dim3A_215 = vector.shape_cast %reduce_sum3A_214 : vector<512xf32> to vector<512x1xf32>
    %rsqrt3A_216 = math.rsqrt %broadcast_in_dim3A_211 : vector<512x1xf32>
    %mul3A_217 = arith.mulf %broadcast_in_dim3A_215, %rsqrt3A_216 : vector<512x1xf32>
    %exp3A_218 = math.exp %mul3A_217 : vector<512x1xf32>
    %div3A_219 = arith.divf %exp3A_218, %broadcast_in_dim3A_207 : vector<512x1xf32>
    %mul3A_220 = vector.broadcast %div3A_219 : vector<512x1xf32> to vector<512x128xf32>
    %mul3A_221 = arith.mulf %mul3A_220, %exp3A_204 : vector<512x128xf32>
    %add3A_222 = arith.addf %add3A_200, %mul3A_221 : vector<512x128xf32>
    %get3A_223 = arith.constant 0 : index
    %get3A_224 = arith.constant 1024 : index
    %get3A_225 = vector.load %arg5[%get3A_223, %get3A_224] : memref<512x3072xf32, #tpu.memory_space<vmem>>, vector<512x128xf32>
    %exp3A_226 = math.exp %get3A_225 : vector<512x128xf32>
    %reduce_sum3A_227 = arith.constant dense<0.000000e+00> : vector<512xf32>
    %reduce_sum3A_228 = vector.multi_reduction <add>, %exp3A_226, %reduce_sum3A_227 [1] : vector<512x128xf32> to vector<512xf32>
    %broadcast_in_dim3A_229 = vector.shape_cast %reduce_sum3A_228 : vector<512xf32> to vector<512x1xf32>
    %mul3A_230 = arith.mulf %get3A_225, %get3A_225 : vector<512x128xf32>
    %reduce_sum3A_231 = arith.constant dense<0.000000e+00> : vector<512xf32>
    %reduce_sum3A_232 = vector.multi_reduction <add>, %mul3A_230, %reduce_sum3A_231 [1] : vector<512x128xf32> to vector<512xf32>
    %broadcast_in_dim3A_233 = vector.shape_cast %reduce_sum3A_232 : vector<512xf32> to vector<512x1xf32>
    %mul3A_234 = arith.mulf %mul3A_44, %get3A_225 : vector<512x128xf32>
    %reduce_sum3A_235 = arith.constant dense<0.000000e+00> : vector<512xf32>
    %reduce_sum3A_236 = vector.multi_reduction <add>, %mul3A_234, %reduce_sum3A_235 [1] : vector<512x128xf32> to vector<512xf32>
    %broadcast_in_dim3A_237 = vector.shape_cast %reduce_sum3A_236 : vector<512xf32> to vector<512x1xf32>
    %rsqrt3A_238 = math.rsqrt %broadcast_in_dim3A_233 : vector<512x1xf32>
    %mul3A_239 = arith.mulf %broadcast_in_dim3A_237, %rsqrt3A_238 : vector<512x1xf32>
    %exp3A_240 = math.exp %mul3A_239 : vector<512x1xf32>
    %div3A_241 = arith.divf %exp3A_240, %broadcast_in_dim3A_229 : vector<512x1xf32>
    %mul3A_242 = vector.broadcast %div3A_241 : vector<512x1xf32> to vector<512x128xf32>
    %mul3A_243 = arith.mulf %mul3A_242, %exp3A_226 : vector<512x128xf32>
    %add3A_244 = arith.addf %add3A_222, %mul3A_243 : vector<512x128xf32>
    %get3A_245 = arith.constant 0 : index
    %get3A_246 = arith.constant 1152 : index
    %get3A_247 = vector.load %arg5[%get3A_245, %get3A_246] : memref<512x3072xf32, #tpu.memory_space<vmem>>, vector<512x128xf32>
    %exp3A_248 = math.exp %get3A_247 : vector<512x128xf32>
    %reduce_sum3A_249 = arith.constant dense<0.000000e+00> : vector<512xf32>
    %reduce_sum3A_250 = vector.multi_reduction <add>, %exp3A_248, %reduce_sum3A_249 [1] : vector<512x128xf32> to vector<512xf32>
    %broadcast_in_dim3A_251 = vector.shape_cast %reduce_sum3A_250 : vector<512xf32> to vector<512x1xf32>
    %mul3A_252 = arith.mulf %get3A_247, %get3A_247 : vector<512x128xf32>
    %reduce_sum3A_253 = arith.constant dense<0.000000e+00> : vector<512xf32>
    %reduce_sum3A_254 = vector.multi_reduction <add>, %mul3A_252, %reduce_sum3A_253 [1] : vector<512x128xf32> to vector<512xf32>
    %broadcast_in_dim3A_255 = vector.shape_cast %reduce_sum3A_254 : vector<512xf32> to vector<512x1xf32>
    %mul3A_256 = arith.mulf %mul3A_44, %get3A_247 : vector<512x128xf32>
    %reduce_sum3A_257 = arith.constant dense<0.000000e+00> : vector<512xf32>
    %reduce_sum3A_258 = vector.multi_reduction <add>, %mul3A_256, %reduce_sum3A_257 [1] : vector<512x128xf32> to vector<512xf32>
    %broadcast_in_dim3A_259 = vector.shape_cast %reduce_sum3A_258 : vector<512xf32> to vector<512x1xf32>
    %rsqrt3A_260 = math.rsqrt %broadcast_in_dim3A_255 : vector<512x1xf32>
    %mul3A_261 = arith.mulf %broadcast_in_dim3A_259, %rsqrt3A_260 : vector<512x1xf32>
    %exp3A_262 = math.exp %mul3A_261 : vector<512x1xf32>
    %div3A_263 = arith.divf %exp3A_262, %broadcast_in_dim3A_251 : vector<512x1xf32>
    %mul3A_264 = vector.broadcast %div3A_263 : vector<512x1xf32> to vector<512x128xf32>
    %mul3A_265 = arith.mulf %mul3A_264, %exp3A_248 : vector<512x128xf32>
    %add3A_266 = arith.addf %add3A_244, %mul3A_265 : vector<512x128xf32>
    %get3A_267 = arith.constant 0 : index
    %get3A_268 = arith.constant 1280 : index
    %get3A_269 = vector.load %arg5[%get3A_267, %get3A_268] : memref<512x3072xf32, #tpu.memory_space<vmem>>, vector<512x128xf32>
    %exp3A_270 = math.exp %get3A_269 : vector<512x128xf32>
    %reduce_sum3A_271 = arith.constant dense<0.000000e+00> : vector<512xf32>
    %reduce_sum3A_272 = vector.multi_reduction <add>, %exp3A_270, %reduce_sum3A_271 [1] : vector<512x128xf32> to vector<512xf32>
    %broadcast_in_dim3A_273 = vector.shape_cast %reduce_sum3A_272 : vector<512xf32> to vector<512x1xf32>
    %mul3A_274 = arith.mulf %get3A_269, %get3A_269 : vector<512x128xf32>
    %reduce_sum3A_275 = arith.constant dense<0.000000e+00> : vector<512xf32>
    %reduce_sum3A_276 = vector.multi_reduction <add>, %mul3A_274, %reduce_sum3A_275 [1] : vector<512x128xf32> to vector<512xf32>
    %broadcast_in_dim3A_277 = vector.shape_cast %reduce_sum3A_276 : vector<512xf32> to vector<512x1xf32>
    %mul3A_278 = arith.mulf %mul3A_44, %get3A_269 : vector<512x128xf32>
    %reduce_sum3A_279 = arith.constant dense<0.000000e+00> : vector<512xf32>
    %reduce_sum3A_280 = vector.multi_reduction <add>, %mul3A_278, %reduce_sum3A_279 [1] : vector<512x128xf32> to vector<512xf32>
    %broadcast_in_dim3A_281 = vector.shape_cast %reduce_sum3A_280 : vector<512xf32> to vector<512x1xf32>
    %rsqrt3A_282 = math.rsqrt %broadcast_in_dim3A_277 : vector<512x1xf32>
    %mul3A_283 = arith.mulf %broadcast_in_dim3A_281, %rsqrt3A_282 : vector<512x1xf32>
    %exp3A_284 = math.exp %mul3A_283 : vector<512x1xf32>
    %div3A_285 = arith.divf %exp3A_284, %broadcast_in_dim3A_273 : vector<512x1xf32>
    %mul3A_286 = vector.broadcast %div3A_285 : vector<512x1xf32> to vector<512x128xf32>
    %mul3A_287 = arith.mulf %mul3A_286, %exp3A_270 : vector<512x128xf32>
    %add3A_288 = arith.addf %add3A_266, %mul3A_287 : vector<512x128xf32>
    %get3A_289 = arith.constant 0 : index
    %get3A_290 = arith.constant 1408 : index
    %get3A_291 = vector.load %arg5[%get3A_289, %get3A_290] : memref<512x3072xf32, #tpu.memory_space<vmem>>, vector<512x128xf32>
    %exp3A_292 = math.exp %get3A_291 : vector<512x128xf32>
    %reduce_sum3A_293 = arith.constant dense<0.000000e+00> : vector<512xf32>
    %reduce_sum3A_294 = vector.multi_reduction <add>, %exp3A_292, %reduce_sum3A_293 [1] : vector<512x128xf32> to vector<512xf32>
    %broadcast_in_dim3A_295 = vector.shape_cast %reduce_sum3A_294 : vector<512xf32> to vector<512x1xf32>
    %mul3A_296 = arith.mulf %get3A_291, %get3A_291 : vector<512x128xf32>
    %reduce_sum3A_297 = arith.constant dense<0.000000e+00> : vector<512xf32>
    %reduce_sum3A_298 = vector.multi_reduction <add>, %mul3A_296, %reduce_sum3A_297 [1] : vector<512x128xf32> to vector<512xf32>
    %broadcast_in_dim3A_299 = vector.shape_cast %reduce_sum3A_298 : vector<512xf32> to vector<512x1xf32>
    %mul3A_300 = arith.mulf %mul3A_44, %get3A_291 : vector<512x128xf32>
    %reduce_sum3A_301 = arith.constant dense<0.000000e+00> : vector<512xf32>
    %reduce_sum3A_302 = vector.multi_reduction <add>, %mul3A_300, %reduce_sum3A_301 [1] : vector<512x128xf32> to vector<512xf32>
    %broadcast_in_dim3A_303 = vector.shape_cast %reduce_sum3A_302 : vector<512xf32> to vector<512x1xf32>
    %rsqrt3A_304 = math.rsqrt %broadcast_in_dim3A_299 : vector<512x1xf32>
    %mul3A_305 = arith.mulf %broadcast_in_dim3A_303, %rsqrt3A_304 : vector<512x1xf32>
    %exp3A_306 = math.exp %mul3A_305 : vector<512x1xf32>
    %div3A_307 = arith.divf %exp3A_306, %broadcast_in_dim3A_295 : vector<512x1xf32>
    %mul3A_308 = vector.broadcast %div3A_307 : vector<512x1xf32> to vector<512x128xf32>
    %mul3A_309 = arith.mulf %mul3A_308, %exp3A_292 : vector<512x128xf32>
    %add3A_310 = arith.addf %add3A_288, %mul3A_309 : vector<512x128xf32>
    %get3A_311 = arith.constant 0 : index
    %get3A_312 = arith.constant 1536 : index
    %get3A_313 = vector.load %arg5[%get3A_311, %get3A_312] : memref<512x3072xf32, #tpu.memory_space<vmem>>, vector<512x128xf32>
    %exp3A_314 = math.exp %get3A_313 : vector<512x128xf32>
    %reduce_sum3A_315 = arith.constant dense<0.000000e+00> : vector<512xf32>
    %reduce_sum3A_316 = vector.multi_reduction <add>, %exp3A_314, %reduce_sum3A_315 [1] : vector<512x128xf32> to vector<512xf32>
    %broadcast_in_dim3A_317 = vector.shape_cast %reduce_sum3A_316 : vector<512xf32> to vector<512x1xf32>
    %mul3A_318 = arith.mulf %get3A_313, %get3A_313 : vector<512x128xf32>
    %reduce_sum3A_319 = arith.constant dense<0.000000e+00> : vector<512xf32>
    %reduce_sum3A_320 = vector.multi_reduction <add>, %mul3A_318, %reduce_sum3A_319 [1] : vector<512x128xf32> to vector<512xf32>
    %broadcast_in_dim3A_321 = vector.shape_cast %reduce_sum3A_320 : vector<512xf32> to vector<512x1xf32>
    %mul3A_322 = arith.mulf %mul3A_44, %get3A_313 : vector<512x128xf32>
    %reduce_sum3A_323 = arith.constant dense<0.000000e+00> : vector<512xf32>
    %reduce_sum3A_324 = vector.multi_reduction <add>, %mul3A_322, %reduce_sum3A_323 [1] : vector<512x128xf32> to vector<512xf32>
    %broadcast_in_dim3A_325 = vector.shape_cast %reduce_sum3A_324 : vector<512xf32> to vector<512x1xf32>
    %rsqrt3A_326 = math.rsqrt %broadcast_in_dim3A_321 : vector<512x1xf32>
    %mul3A_327 = arith.mulf %broadcast_in_dim3A_325, %rsqrt3A_326 : vector<512x1xf32>
    %exp3A_328 = math.exp %mul3A_327 : vector<512x1xf32>
    %div3A_329 = arith.divf %exp3A_328, %broadcast_in_dim3A_317 : vector<512x1xf32>
    %mul3A_330 = vector.broadcast %div3A_329 : vector<512x1xf32> to vector<512x128xf32>
    %mul3A_331 = arith.mulf %mul3A_330, %exp3A_314 : vector<512x128xf32>
    %add3A_332 = arith.addf %add3A_310, %mul3A_331 : vector<512x128xf32>
    %get3A_333 = arith.constant 0 : index
    %get3A_334 = arith.constant 1664 : index
    %get3A_335 = vector.load %arg5[%get3A_333, %get3A_334] : memref<512x3072xf32, #tpu.memory_space<vmem>>, vector<512x128xf32>
    %exp3A_336 = math.exp %get3A_335 : vector<512x128xf32>
    %reduce_sum3A_337 = arith.constant dense<0.000000e+00> : vector<512xf32>
    %reduce_sum3A_338 = vector.multi_reduction <add>, %exp3A_336, %reduce_sum3A_337 [1] : vector<512x128xf32> to vector<512xf32>
    %broadcast_in_dim3A_339 = vector.shape_cast %reduce_sum3A_338 : vector<512xf32> to vector<512x1xf32>
    %mul3A_340 = arith.mulf %get3A_335, %get3A_335 : vector<512x128xf32>
    %reduce_sum3A_341 = arith.constant dense<0.000000e+00> : vector<512xf32>
    %reduce_sum3A_342 = vector.multi_reduction <add>, %mul3A_340, %reduce_sum3A_341 [1] : vector<512x128xf32> to vector<512xf32>
    %broadcast_in_dim3A_343 = vector.shape_cast %reduce_sum3A_342 : vector<512xf32> to vector<512x1xf32>
    %mul3A_344 = arith.mulf %mul3A_44, %get3A_335 : vector<512x128xf32>
    %reduce_sum3A_345 = arith.constant dense<0.000000e+00> : vector<512xf32>
    %reduce_sum3A_346 = vector.multi_reduction <add>, %mul3A_344, %reduce_sum3A_345 [1] : vector<512x128xf32> to vector<512xf32>
    %broadcast_in_dim3A_347 = vector.shape_cast %reduce_sum3A_346 : vector<512xf32> to vector<512x1xf32>
    %rsqrt3A_348 = math.rsqrt %broadcast_in_dim3A_343 : vector<512x1xf32>
    %mul3A_349 = arith.mulf %broadcast_in_dim3A_347, %rsqrt3A_348 : vector<512x1xf32>
    %exp3A_350 = math.exp %mul3A_349 : vector<512x1xf32>
    %div3A_351 = arith.divf %exp3A_350, %broadcast_in_dim3A_339 : vector<512x1xf32>
    %mul3A_352 = vector.broadcast %div3A_351 : vector<512x1xf32> to vector<512x128xf32>
    %mul3A_353 = arith.mulf %mul3A_352, %exp3A_336 : vector<512x128xf32>
    %add3A_354 = arith.addf %add3A_332, %mul3A_353 : vector<512x128xf32>
    %get3A_355 = arith.constant 0 : index
    %get3A_356 = arith.constant 1792 : index
    %get3A_357 = vector.load %arg5[%get3A_355, %get3A_356] : memref<512x3072xf32, #tpu.memory_space<vmem>>, vector<512x128xf32>
    %exp3A_358 = math.exp %get3A_357 : vector<512x128xf32>
    %reduce_sum3A_359 = arith.constant dense<0.000000e+00> : vector<512xf32>
    %reduce_sum3A_360 = vector.multi_reduction <add>, %exp3A_358, %reduce_sum3A_359 [1] : vector<512x128xf32> to vector<512xf32>
    %broadcast_in_dim3A_361 = vector.shape_cast %reduce_sum3A_360 : vector<512xf32> to vector<512x1xf32>
    %mul3A_362 = arith.mulf %get3A_357, %get3A_357 : vector<512x128xf32>
    %reduce_sum3A_363 = arith.constant dense<0.000000e+00> : vector<512xf32>
    %reduce_sum3A_364 = vector.multi_reduction <add>, %mul3A_362, %reduce_sum3A_363 [1] : vector<512x128xf32> to vector<512xf32>
    %broadcast_in_dim3A_365 = vector.shape_cast %reduce_sum3A_364 : vector<512xf32> to vector<512x1xf32>
    %mul3A_366 = arith.mulf %mul3A_44, %get3A_357 : vector<512x128xf32>
    %reduce_sum3A_367 = arith.constant dense<0.000000e+00> : vector<512xf32>
    %reduce_sum3A_368 = vector.multi_reduction <add>, %mul3A_366, %reduce_sum3A_367 [1] : vector<512x128xf32> to vector<512xf32>
    %broadcast_in_dim3A_369 = vector.shape_cast %reduce_sum3A_368 : vector<512xf32> to vector<512x1xf32>
    %rsqrt3A_370 = math.rsqrt %broadcast_in_dim3A_365 : vector<512x1xf32>
    %mul3A_371 = arith.mulf %broadcast_in_dim3A_369, %rsqrt3A_370 : vector<512x1xf32>
    %exp3A_372 = math.exp %mul3A_371 : vector<512x1xf32>
    %div3A_373 = arith.divf %exp3A_372, %broadcast_in_dim3A_361 : vector<512x1xf32>
    %mul3A_374 = vector.broadcast %div3A_373 : vector<512x1xf32> to vector<512x128xf32>
    %mul3A_375 = arith.mulf %mul3A_374, %exp3A_358 : vector<512x128xf32>
    %add3A_376 = arith.addf %add3A_354, %mul3A_375 : vector<512x128xf32>
    %get3A_377 = arith.constant 0 : index
    %get3A_378 = arith.constant 1920 : index
    %get3A_379 = vector.load %arg5[%get3A_377, %get3A_378] : memref<512x3072xf32, #tpu.memory_space<vmem>>, vector<512x128xf32>
    %exp3A_380 = math.exp %get3A_379 : vector<512x128xf32>
    %reduce_sum3A_381 = arith.constant dense<0.000000e+00> : vector<512xf32>
    %reduce_sum3A_382 = vector.multi_reduction <add>, %exp3A_380, %reduce_sum3A_381 [1] : vector<512x128xf32> to vector<512xf32>
    %broadcast_in_dim3A_383 = vector.shape_cast %reduce_sum3A_382 : vector<512xf32> to vector<512x1xf32>
    %mul3A_384 = arith.mulf %get3A_379, %get3A_379 : vector<512x128xf32>
    %reduce_sum3A_385 = arith.constant dense<0.000000e+00> : vector<512xf32>
    %reduce_sum3A_386 = vector.multi_reduction <add>, %mul3A_384, %reduce_sum3A_385 [1] : vector<512x128xf32> to vector<512xf32>
    %broadcast_in_dim3A_387 = vector.shape_cast %reduce_sum3A_386 : vector<512xf32> to vector<512x1xf32>
    %mul3A_388 = arith.mulf %mul3A_44, %get3A_379 : vector<512x128xf32>
    %reduce_sum3A_389 = arith.constant dense<0.000000e+00> : vector<512xf32>
    %reduce_sum3A_390 = vector.multi_reduction <add>, %mul3A_388, %reduce_sum3A_389 [1] : vector<512x128xf32> to vector<512xf32>
    %broadcast_in_dim3A_391 = vector.shape_cast %reduce_sum3A_390 : vector<512xf32> to vector<512x1xf32>
    %rsqrt3A_392 = math.rsqrt %broadcast_in_dim3A_387 : vector<512x1xf32>
    %mul3A_393 = arith.mulf %broadcast_in_dim3A_391, %rsqrt3A_392 : vector<512x1xf32>
    %exp3A_394 = math.exp %mul3A_393 : vector<512x1xf32>
    %div3A_395 = arith.divf %exp3A_394, %broadcast_in_dim3A_383 : vector<512x1xf32>
    %mul3A_396 = vector.broadcast %div3A_395 : vector<512x1xf32> to vector<512x128xf32>
    %mul3A_397 = arith.mulf %mul3A_396, %exp3A_380 : vector<512x128xf32>
    %add3A_398 = arith.addf %add3A_376, %mul3A_397 : vector<512x128xf32>
    %get3A_399 = arith.constant 0 : index
    %get3A_400 = arith.constant 2048 : index
    %get3A_401 = vector.load %arg5[%get3A_399, %get3A_400] : memref<512x3072xf32, #tpu.memory_space<vmem>>, vector<512x128xf32>
    %exp3A_402 = math.exp %get3A_401 : vector<512x128xf32>
    %reduce_sum3A_403 = arith.constant dense<0.000000e+00> : vector<512xf32>
    %reduce_sum3A_404 = vector.multi_reduction <add>, %exp3A_402, %reduce_sum3A_403 [1] : vector<512x128xf32> to vector<512xf32>
    %broadcast_in_dim3A_405 = vector.shape_cast %reduce_sum3A_404 : vector<512xf32> to vector<512x1xf32>
    %mul3A_406 = arith.mulf %get3A_401, %get3A_401 : vector<512x128xf32>
    %reduce_sum3A_407 = arith.constant dense<0.000000e+00> : vector<512xf32>
    %reduce_sum3A_408 = vector.multi_reduction <add>, %mul3A_406, %reduce_sum3A_407 [1] : vector<512x128xf32> to vector<512xf32>
    %broadcast_in_dim3A_409 = vector.shape_cast %reduce_sum3A_408 : vector<512xf32> to vector<512x1xf32>
    %mul3A_410 = arith.mulf %mul3A_44, %get3A_401 : vector<512x128xf32>
    %reduce_sum3A_411 = arith.constant dense<0.000000e+00> : vector<512xf32>
    %reduce_sum3A_412 = vector.multi_reduction <add>, %mul3A_410, %reduce_sum3A_411 [1] : vector<512x128xf32> to vector<512xf32>
    %broadcast_in_dim3A_413 = vector.shape_cast %reduce_sum3A_412 : vector<512xf32> to vector<512x1xf32>
    %rsqrt3A_414 = math.rsqrt %broadcast_in_dim3A_409 : vector<512x1xf32>
    %mul3A_415 = arith.mulf %broadcast_in_dim3A_413, %rsqrt3A_414 : vector<512x1xf32>
    %exp3A_416 = math.exp %mul3A_415 : vector<512x1xf32>
    %div3A_417 = arith.divf %exp3A_416, %broadcast_in_dim3A_405 : vector<512x1xf32>
    %mul3A_418 = vector.broadcast %div3A_417 : vector<512x1xf32> to vector<512x128xf32>
    %mul3A_419 = arith.mulf %mul3A_418, %exp3A_402 : vector<512x128xf32>
    %add3A_420 = arith.addf %add3A_398, %mul3A_419 : vector<512x128xf32>
    %get3A_421 = arith.constant 0 : index
    %get3A_422 = arith.constant 2176 : index
    %get3A_423 = vector.load %arg5[%get3A_421, %get3A_422] : memref<512x3072xf32, #tpu.memory_space<vmem>>, vector<512x128xf32>
    %exp3A_424 = math.exp %get3A_423 : vector<512x128xf32>
    %reduce_sum3A_425 = arith.constant dense<0.000000e+00> : vector<512xf32>
    %reduce_sum3A_426 = vector.multi_reduction <add>, %exp3A_424, %reduce_sum3A_425 [1] : vector<512x128xf32> to vector<512xf32>
    %broadcast_in_dim3A_427 = vector.shape_cast %reduce_sum3A_426 : vector<512xf32> to vector<512x1xf32>
    %mul3A_428 = arith.mulf %get3A_423, %get3A_423 : vector<512x128xf32>
    %reduce_sum3A_429 = arith.constant dense<0.000000e+00> : vector<512xf32>
    %reduce_sum3A_430 = vector.multi_reduction <add>, %mul3A_428, %reduce_sum3A_429 [1] : vector<512x128xf32> to vector<512xf32>
    %broadcast_in_dim3A_431 = vector.shape_cast %reduce_sum3A_430 : vector<512xf32> to vector<512x1xf32>
    %mul3A_432 = arith.mulf %mul3A_44, %get3A_423 : vector<512x128xf32>
    %reduce_sum3A_433 = arith.constant dense<0.000000e+00> : vector<512xf32>
    %reduce_sum3A_434 = vector.multi_reduction <add>, %mul3A_432, %reduce_sum3A_433 [1] : vector<512x128xf32> to vector<512xf32>
    %broadcast_in_dim3A_435 = vector.shape_cast %reduce_sum3A_434 : vector<512xf32> to vector<512x1xf32>
    %rsqrt3A_436 = math.rsqrt %broadcast_in_dim3A_431 : vector<512x1xf32>
    %mul3A_437 = arith.mulf %broadcast_in_dim3A_435, %rsqrt3A_436 : vector<512x1xf32>
    %exp3A_438 = math.exp %mul3A_437 : vector<512x1xf32>
    %div3A_439 = arith.divf %exp3A_438, %broadcast_in_dim3A_427 : vector<512x1xf32>
    %mul3A_440 = vector.broadcast %div3A_439 : vector<512x1xf32> to vector<512x128xf32>
    %mul3A_441 = arith.mulf %mul3A_440, %exp3A_424 : vector<512x128xf32>
    %add3A_442 = arith.addf %add3A_420, %mul3A_441 : vector<512x128xf32>
    %get3A_443 = arith.constant 0 : index
    %get3A_444 = arith.constant 2304 : index
    %get3A_445 = vector.load %arg5[%get3A_443, %get3A_444] : memref<512x3072xf32, #tpu.memory_space<vmem>>, vector<512x128xf32>
    %exp3A_446 = math.exp %get3A_445 : vector<512x128xf32>
    %reduce_sum3A_447 = arith.constant dense<0.000000e+00> : vector<512xf32>
    %reduce_sum3A_448 = vector.multi_reduction <add>, %exp3A_446, %reduce_sum3A_447 [1] : vector<512x128xf32> to vector<512xf32>
    %broadcast_in_dim3A_449 = vector.shape_cast %reduce_sum3A_448 : vector<512xf32> to vector<512x1xf32>
    %mul3A_450 = arith.mulf %get3A_445, %get3A_445 : vector<512x128xf32>
    %reduce_sum3A_451 = arith.constant dense<0.000000e+00> : vector<512xf32>
    %reduce_sum3A_452 = vector.multi_reduction <add>, %mul3A_450, %reduce_sum3A_451 [1] : vector<512x128xf32> to vector<512xf32>
    %broadcast_in_dim3A_453 = vector.shape_cast %reduce_sum3A_452 : vector<512xf32> to vector<512x1xf32>
    %mul3A_454 = arith.mulf %mul3A_44, %get3A_445 : vector<512x128xf32>
    %reduce_sum3A_455 = arith.constant dense<0.000000e+00> : vector<512xf32>
    %reduce_sum3A_456 = vector.multi_reduction <add>, %mul3A_454, %reduce_sum3A_455 [1] : vector<512x128xf32> to vector<512xf32>
    %broadcast_in_dim3A_457 = vector.shape_cast %reduce_sum3A_456 : vector<512xf32> to vector<512x1xf32>
    %rsqrt3A_458 = math.rsqrt %broadcast_in_dim3A_453 : vector<512x1xf32>
    %mul3A_459 = arith.mulf %broadcast_in_dim3A_457, %rsqrt3A_458 : vector<512x1xf32>
    %exp3A_460 = math.exp %mul3A_459 : vector<512x1xf32>
    %div3A_461 = arith.divf %exp3A_460, %broadcast_in_dim3A_449 : vector<512x1xf32>
    %mul3A_462 = vector.broadcast %div3A_461 : vector<512x1xf32> to vector<512x128xf32>
    %mul3A_463 = arith.mulf %mul3A_462, %exp3A_446 : vector<512x128xf32>
    %add3A_464 = arith.addf %add3A_442, %mul3A_463 : vector<512x128xf32>
    %get3A_465 = arith.constant 0 : index
    %get3A_466 = arith.constant 2432 : index
    %get3A_467 = vector.load %arg5[%get3A_465, %get3A_466] : memref<512x3072xf32, #tpu.memory_space<vmem>>, vector<512x128xf32>
    %exp3A_468 = math.exp %get3A_467 : vector<512x128xf32>
    %reduce_sum3A_469 = arith.constant dense<0.000000e+00> : vector<512xf32>
    %reduce_sum3A_470 = vector.multi_reduction <add>, %exp3A_468, %reduce_sum3A_469 [1] : vector<512x128xf32> to vector<512xf32>
    %broadcast_in_dim3A_471 = vector.shape_cast %reduce_sum3A_470 : vector<512xf32> to vector<512x1xf32>
    %mul3A_472 = arith.mulf %get3A_467, %get3A_467 : vector<512x128xf32>
    %reduce_sum3A_473 = arith.constant dense<0.000000e+00> : vector<512xf32>
    %reduce_sum3A_474 = vector.multi_reduction <add>, %mul3A_472, %reduce_sum3A_473 [1] : vector<512x128xf32> to vector<512xf32>
    %broadcast_in_dim3A_475 = vector.shape_cast %reduce_sum3A_474 : vector<512xf32> to vector<512x1xf32>
    %mul3A_476 = arith.mulf %mul3A_44, %get3A_467 : vector<512x128xf32>
    %reduce_sum3A_477 = arith.constant dense<0.000000e+00> : vector<512xf32>
    %reduce_sum3A_478 = vector.multi_reduction <add>, %mul3A_476, %reduce_sum3A_477 [1] : vector<512x128xf32> to vector<512xf32>
    %broadcast_in_dim3A_479 = vector.shape_cast %reduce_sum3A_478 : vector<512xf32> to vector<512x1xf32>
    %rsqrt3A_480 = math.rsqrt %broadcast_in_dim3A_475 : vector<512x1xf32>
    %mul3A_481 = arith.mulf %broadcast_in_dim3A_479, %rsqrt3A_480 : vector<512x1xf32>
    %exp3A_482 = math.exp %mul3A_481 : vector<512x1xf32>
    %div3A_483 = arith.divf %exp3A_482, %broadcast_in_dim3A_471 : vector<512x1xf32>
    %mul3A_484 = vector.broadcast %div3A_483 : vector<512x1xf32> to vector<512x128xf32>
    %mul3A_485 = arith.mulf %mul3A_484, %exp3A_468 : vector<512x128xf32>
    %add3A_486 = arith.addf %add3A_464, %mul3A_485 : vector<512x128xf32>
    %reduce_sum3A_487 = arith.constant dense<0.000000e+00> : vector<512xf32>
    %reduce_sum3A_488 = vector.multi_reduction <add>, %add3A_486, %reduce_sum3A_487 [1] : vector<512x128xf32> to vector<512xf32>
    %broadcast_in_dim3A_489 = vector.shape_cast %reduce_sum3A_488 : vector<512xf32> to vector<512x1xf32>
    %div3A_490 = vector.broadcast %broadcast_in_dim3A_489 : vector<512x1xf32> to vector<512x128xf32>
    %div3A_491 = arith.divf %add3A_486, %div3A_490 : vector<512x128xf32>
    %sub3A_492 = arith.subf %div3A_11, %div3A_491 : vector<512x128xf32>
    %mul3A_493 = arith.mulf %sub3A_492, %sub3A_492 : vector<512x128xf32>
    %reduce_sum3A_494 = arith.constant dense<0.000000e+00> : vector<512xf32>
    %reduce_sum3A_495 = vector.multi_reduction <add>, %mul3A_493, %reduce_sum3A_494 [1] : vector<512x128xf32> to vector<512xf32>
    %broadcast_in_dim3A_496 = vector.shape_cast %reduce_sum3A_495 : vector<512xf32> to vector<512x1xf32>
    %sqrt3A = math.sqrt %broadcast_in_dim3A_496 : vector<512x1xf32>
    %div3A_497 = arith.constant 1.000000e+00 : f32
    %div3A_498 = vector.broadcast %div3A_497 : f32 to vector<512x1xf32>
    %div3A_499 = arith.divf %div3A_498, %sqrt3A : vector<512x1xf32>
    %max3A = arith.constant 1.000000e+00 : f32
    %max3A_500 = vector.broadcast %max3A : f32 to vector<512x1xf32>
    %max3A_501 = arith.maximumf %max3A_500, %div3A_499 : vector<512x1xf32>
    %min3A = arith.constant 1.000000e+02 : f32
    %min3A_502 = vector.broadcast %min3A : f32 to vector<512x1xf32>
    %min3A_503 = arith.minimumf %max3A_501, %min3A_502 : vector<512x1xf32>
    %sub3A_504 = vector.broadcast %broadcast_in_dim3A : vector<512x1xf32> to vector<512x128xf32>
    %sub3A_505 = arith.subf %get3A_6, %sub3A_504 : vector<512x128xf32>
    %mul3A_506 = vector.broadcast %min3A_503 : vector<512x1xf32> to vector<512x128xf32>
    %mul3A_507 = arith.mulf %mul3A_506, %sub3A_505 : vector<512x128xf32>
    %exp3A_508 = math.exp %mul3A_507 : vector<512x128xf32>
    %reduce_sum3A_509 = arith.constant dense<0.000000e+00> : vector<512xf32>
    %reduce_sum3A_510 = vector.multi_reduction <add>, %exp3A_508, %reduce_sum3A_509 [1] : vector<512x128xf32> to vector<512xf32>
    %broadcast_in_dim3A_511 = vector.shape_cast %reduce_sum3A_510 : vector<512xf32> to vector<512x1xf32>
    %div3A_512 = vector.broadcast %broadcast_in_dim3A_511 : vector<512x1xf32> to vector<512x128xf32>
    %div3A_513 = arith.divf %exp3A_508, %div3A_512 : vector<512x128xf32>
    %get3A_514 = arith.constant 0 : index
    %get3A_515 = arith.constant 0 : index
    %get3A_516 = vector.load %arg4[%get3A_514, %get3A_515] : memref<512x128xf32, #tpu.memory_space<vmem>>, vector<512x128xf32>
    %exp3A_517 = math.exp %get3A_516 : vector<512x128xf32>
    %reduce_sum3A_518 = arith.constant dense<0.000000e+00> : vector<512xf32>
    %reduce_sum3A_519 = vector.multi_reduction <add>, %exp3A_517, %reduce_sum3A_518 [1] : vector<512x128xf32> to vector<512xf32>
    %broadcast_in_dim3A_520 = vector.shape_cast %reduce_sum3A_519 : vector<512xf32> to vector<512x1xf32>
    %log3A = math.log %broadcast_in_dim3A_520 : vector<512x1xf32>
    %sub3A_521 = vector.broadcast %log3A : vector<512x1xf32> to vector<512x128xf32>
    %sub3A_522 = arith.subf %get3A_516, %sub3A_521 : vector<512x128xf32>
    %get3A_523 = arith.constant 0 : index
    %get3A_524 = arith.constant 0 : index
    %get3A_525 = vector.load %arg7[%get3A_523, %get3A_524] : memref<1x128xf32, #tpu.memory_space<vmem>>, vector<1x128xf32>
    %mul3A_526 = vector.broadcast %convert_element_type3A_17 : vector<512x1xf32> to vector<512x128xf32>
    %mul3A_527 = arith.mulf %mul3A_526, %div3A_513 : vector<512x128xf32>
    %mul3A_528 = arith.mulf %mul3A_527, %sub3A_522 : vector<512x128xf32>
    %reduce_sum3A_529 = arith.constant dense<0.000000e+00> : vector<128xf32>
    %reduce_sum3A_530 = vector.multi_reduction <add>, %mul3A_528, %reduce_sum3A_529 [0] : vector<512x128xf32> to vector<128xf32>
    %broadcast_in_dim3A_531 = vector.shape_cast %reduce_sum3A_530 : vector<128xf32> to vector<1x128xf32>
    %add3A_532 = arith.addf %get3A_525, %broadcast_in_dim3A_531 : vector<1x128xf32>
    %swap3A_533 = arith.constant 0 : index
    %swap3A_534 = arith.constant 0 : index
    %swap3A_535 = vector.load %arg7[%swap3A_533, %swap3A_534] : memref<1x128xf32, #tpu.memory_space<vmem>>, vector<1x128xf32>
    tpu.vector_store %arg7[%swap3A_533, %swap3A_534], %add3A_532 {strides = array<i32>} : memref<1x128xf32, #tpu.memory_space<vmem>>, vector<1x128xf32>,
    %eq3A_536 = arith.constant 31 : i32
    %eq3A_537 = arith.cmpi eq, %arg0, %eq3A_536 : i32
    %convert_element_type3A_538 = arith.extui %eq3A_537 : i1 to i32
    %cond3A_539 = arith.constant 0 : i32
    %cond3A_540 = arith.cmpi ne, %convert_element_type3A_538, %cond3A_539 : i32
    scf.if %cond3A_540 {
      %get3A_541 = arith.constant 0 : index
      %get3A_542 = arith.constant 0 : index
      %get3A_543 = vector.load %arg8[%get3A_541, %get3A_542] : memref<1x128xf32, #tpu.memory_space<vmem>>, vector<1x128xf32>
      %reduce_sum3A_544 = vector.shape_cast %get3A_543 : vector<1x128xf32> to vector<1x1x128xf32>
      %reduce_sum3A_545 = arith.constant dense<0.000000e+00> : vector<1xf32>
      %reduce_sum3A_546 = vector.multi_reduction <add>, %reduce_sum3A_544, %reduce_sum3A_545 [1, 2] : vector<1x1x128xf32> to vector<1xf32>
      %reduce_sum3A_547 = vector.shape_cast %reduce_sum3A_546 : vector<1xf32> to vector<1x1x1xf32>
      %reduce_sum3A_548 = vector.extract %reduce_sum3A_547[0, 0, 0] : f32 from vector<1x1x1xf32>
      %div3A_549 = vector.broadcast %reduce_sum3A_548 : f32 to vector<1x128xf32>
      %div3A_550 = arith.divf %get3A_543, %div3A_549 : vector<1x128xf32>
      %get3A_551 = arith.constant 0 : index
      %get3A_552 = arith.constant 0 : index
      %get3A_553 = memref.load %arg2[%get3A_551, %get3A_552] : memref<1x1xf32, #tpu.memory_space<smem>>
      %gt3A_554 = arith.constant 0.000000e+00 : f32
      %gt3A_555 = vector.broadcast %gt3A_554 : f32 to vector<1x128xf32>
      %gt3A_556 = arith.cmpf ogt, %get3A_543, %gt3A_555 : vector<1x128xf32>
      %add3A_557 = vector.broadcast %get3A_553 : f32 to vector<1x128xf32>
      %add3A_558 = arith.addf %add3A_557, %div3A_550 : vector<1x128xf32>
      %log3A_559 = math.log %add3A_558 : vector<1x128xf32>
      %div3A_560 = arith.constant 1.000000e+00 : f32
      %div3A_561 = vector.broadcast %div3A_560 : f32 to vector<1x128xf32>
      %div3A_562 = arith.divf %div3A_561, %log3A_559 : vector<1x128xf32>
      %jit3A_563 = arith.constant 1.000000e+00 : f32
      %broadcast_in_dim3A_564 = vector.broadcast %jit3A_563 : f32 to vector<1x128xf32>
      %select_n3A_565 = arith.select %gt3A_556, %div3A_562, %broadcast_in_dim3A_564 : vector<1x128xi1>, vector<1x128xf32>
      %jit3A_566 = arith.constant 1.000000e+00 : f32
      %jit3A_567 = arith.constant 5.000000e+01 : f32
      %max3A_568 = vector.broadcast %jit3A_566 : f32 to vector<1x128xf32>
      %max3A_569 = arith.maximumf %max3A_568, %select_n3A_565 : vector<1x128xf32>
      %min3A_570 = vector.broadcast %jit3A_567 : f32 to vector<1x128xf32>
      %min3A_571 = arith.minimumf %min3A_570, %max3A_569 : vector<1x128xf32>
      %reduce_sum3A_572 = vector.shape_cast %min3A_571 : vector<1x128xf32> to vector<1x1x128xf32>
      %reduce_sum3A_573 = arith.constant dense<0.000000e+00> : vector<1xf32>
      %reduce_sum3A_574 = vector.multi_reduction <add>, %reduce_sum3A_572, %reduce_sum3A_573 [1, 2] : vector<1x1x128xf32> to vector<1xf32>
      %reduce_sum3A_575 = vector.shape_cast %reduce_sum3A_574 : vector<1xf32> to vector<1x1x1xf32>
      %reduce_sum3A_576 = vector.extract %reduce_sum3A_575[0, 0, 0] : f32 from vector<1x1x1xf32>
      %div3A_577 = vector.broadcast %reduce_sum3A_576 : f32 to vector<1x128xf32>
      %div3A_578 = arith.divf %min3A_571, %div3A_577 : vector<1x128xf32>
      %reduce_sum3A_579 = vector.shape_cast %min3A_571 : vector<1x128xf32> to vector<1x1x128xf32>
      %reduce_sum3A_580 = arith.constant dense<0.000000e+00> : vector<1xf32>
      %reduce_sum3A_581 = vector.multi_reduction <add>, %reduce_sum3A_579, %reduce_sum3A_580 [1, 2] : vector<1x1x128xf32> to vector<1xf32>
      %reduce_sum3A_582 = vector.shape_cast %reduce_sum3A_581 : vector<1xf32> to vector<1x1x1xf32>
      %reduce_sum3A_583 = vector.extract %reduce_sum3A_582[0, 0, 0] : f32 from vector<1x1x1xf32>
      %div3A_584 = arith.constant 1.280000e+02 : f32
      %div3A_585 = arith.divf %reduce_sum3A_583, %div3A_584 : f32
      %mul3A_586 = vector.broadcast %div3A_585 : f32 to vector<1x128xf32>
      %mul3A_587 = arith.mulf %div3A_578, %mul3A_586 : vector<1x128xf32>
      %get3A_588 = arith.constant 0 : index
      %get3A_589 = arith.constant 0 : index
      %get3A_590 = vector.load %arg7[%get3A_588, %get3A_589] : memref<1x128xf32, #tpu.memory_space<vmem>>, vector<1x128xf32>
      %mul3A_591 = arith.mulf %mul3A_587, %get3A_590 : vector<1x128xf32>
      %reduce_sum3A_592 = vector.shape_cast %mul3A_591 : vector<1x128xf32> to vector<1x1x128xf32>
      %reduce_sum3A_593 = arith.constant dense<0.000000e+00> : vector<1xf32>
      %reduce_sum3A_594 = vector.multi_reduction <add>, %reduce_sum3A_592, %reduce_sum3A_593 [1, 2] : vector<1x1x128xf32> to vector<1xf32>
      %reduce_sum3A_595 = vector.shape_cast %reduce_sum3A_594 : vector<1xf32> to vector<1x1x1xf32>
      %reduce_sum3A_596 = vector.extract %reduce_sum3A_595[0, 0, 0] : f32 from vector<1x1x1xf32>
      %neg3A = arith.constant 0.000000e+00 : f32
      %neg3A_597 = arith.subf %neg3A, %reduce_sum3A_596 : f32
      %div3A_598 = arith.divf %neg3A_597, %reduce_sum3A_548 : f32
      %reshape3A = vector.broadcast %div3A_598 : f32 to vector<1x1xf32>
      %swap3A_599 = arith.constant 0 : index
      %swap3A_600 = arith.constant 0 : index
      %swap3A_601 = vector.load %arg6[%swap3A_599, %swap3A_600] : memref<1x1xf32, #tpu.memory_space<vmem>>, vector<1x1xf32>
      tpu.vector_store %arg6[%swap3A_599, %swap3A_600], %reshape3A {strides = array<i32>} : memref<1x1xf32, #tpu.memory_space<vmem>>, vector<1x1xf32>,
    } else {
    }
    return
  }
  func.func @transform_0(%arg0: i32) -> (i32, i32) {
    %c0_i32 = arith.constant 0 : i32
    %c0_i32_0 = arith.constant 0 : i32
    %c0_i32_1 = arith.constant 0 : i32
    return %c0_i32, %c0_i32_0 : i32, i32
  }
  func.func @transform_1(%arg0: i32) -> (i32, i32) {
    %c0_i32 = arith.constant 0 : i32
    %c0_i32_0 = arith.constant 0 : i32
    %c0_i32_1 = arith.constant 0 : i32
    return %c0_i32, %c0_i32_0 : i32, i32
  }
  func.func @transform_2(%arg0: i32) -> (i32, i32) {
    %c0_i32 = arith.constant 0 : i32
    %c0_i32_0 = arith.constant 0 : i32
    return %arg0, %c0_i32 : i32, i32
  }
  func.func @transform_3(%arg0: i32) -> (i32, i32) {
    %c0_i32 = arith.constant 0 : i32
    %c0_i32_0 = arith.constant 0 : i32
    return %arg0, %c0_i32 : i32, i32
  }
  func.func @transform_4(%arg0: i32) -> (i32, i32) {
    %c0_i32 = arith.constant 0 : i32
    %c0_i32_0 = arith.constant 0 : i32
    return %arg0, %c0_i32 : i32, i32
  }
  func.func @transform_5(%arg0: i32) -> (i32, i32) {
    %c0_i32 = arith.constant 0 : i32
    %c0_i32_0 = arith.constant 0 : i32
    %c0_i32_1 = arith.constant 0 : i32
    return %c0_i32, %c0_i32_0 : i32, i32
  }
}

</mosaic_0001>

<sc_bundles>
// kernel: sparse-core-data-format-call.1.cloned.1.call-start
scs
called_computation.1_lowered:
.L_overlay_start_0:
0x0: {  	s2 =	sld [smem:$0x3FD9]  }
0x1: {  	s3 =	sld [smem:$0x3FFE];
	_ =	sdelay $0x1  }
0x2: {  	s1 =	srdreg.scid  }
0x3: {  	s0 =	sand.u32 $0x1, s1  }
0x4: {  	s18 =	sshll.u32 s0, $0xA;
	s2 =	sadd.s32 s3, s2  }
0x5: {  	s2 =	sadd.s32 s2, s18  }
0x6: {  	[smem:$0x3FC3] =	sst s2  }
0x7: {  	_ = 	snop  }
0x8: {  	s2 =	sld [smem:$0x3FC7];
	(tm) =	ssettm $0x1  }
0x9: {  	s19 =	sld [smem:$0x3FFB];
	_ =	sdelay $0x3  }
0xa: {  	_ =	strace s19  }
0xb: {  	s3 =	sld [smem:$0x3FFC];
	_ =	sdelay $0x3  }
0xc: {  	_ =	strace s3  }
0xd: {  	s3 =	sld [smem:$0x3FFD];
	_ =	sdelay $0x3  }
0xe: {  	_ =	strace s3  }
0xf: {  	_ =	strace $0x8FFFFFFF  }
0x10: {  	s20 =	sld [smem:$0x3FDB];
	_ =	sdelay $0x1  }
0x11: {  	s4 =	simm.s32 $_scs_section_size  }
0x12: {  	s5 =	simm.s32 $_size__tile_overlayer_lowered;
	s6 =	simm.s32 $_tile_overlayer_lowered  }
0x13: {  	s23 =	simm.s32 $0x1BFF;
	s22 =	sshll.u32 s6, $0x1;
	s3 =	sadd.s32 s4, s20  }
0x14: {  	s7 =	simm.s32 $0x0;
	s21 =	sshll.u32 s5, $0x1;
	s5 =	sadd.s32 s22, s3  }
0x15: {  	[timem:s7], [sflag:s23] =	dma.local [hbm:s5], s21  }
0x16: {  	_ =	swait.ge [sflag:s23], s21  }
0x17: {  	s4 =	ssub.s32 $0x0, s21;
	[sflag:s23] =	ssyncset.done $0x0  }
0x18: {  	[sflag:s23] =	ssyncadd.s32 s4;
	_ =	sdelay $0x1  }
0x19: {  	s24 =	simm.s32 $0x1B8B  }
0x1a: {  	_ =	swait.ge [sflag:s24], $0x1  }
0x1b: {  	[sflag:s24] =	ssyncset.done $0x0  }
0x1c: {  	s26 =	simm.s32 $0x1B8E;
	s25 =	sld [smem:$0x3FFE];
	[sflag:s24] =	ssyncadd.s32 $0xFFFFFFFF  }
0x1d: {  	s27 =	simm.s32 $execute0_lowered;
	[smem:$0x3FD2] =	sst s26  }
0x1e: {  	s5 =	sshll.u32 s27, $0x1;
	_ =	strace $0x80000046;
	[dreg:$0x1] =	wrdreg $0xFFFFFFFF  }
0x1f: {  	s28 =	simm.s32 $_size_execute0_lowered;
	s3 =	sadd.s32 s3, s5;
	[dreg:$0x0] =	wrdreg $0x0  }
0x20: {  	s5 =	sshll.u32 s28, $0x1;
	[dreg:$0x2] =	wrdreg s3  }
0x21: {  	[dreg:$0x3] =	wrdreg s5  }
0x22: {  	[dreg:$0x4] =	wrdreg $0xC0  }
0x23: {  	_ =	task [dreg:s7], $0x5FFFF  }
0x24: {  	[dreg:$0x1] =	wrdreg $0xFFFFFFFF  }
0x25: {  	[dreg:$0x0] =	wrdreg $0x60  }
0x26: {  	[dreg:$0x2] =	wrdreg s2  }
0x27: {  	[dreg:$0x3] =	wrdreg s25  }
0x28: {  	[dreg:$0x4] =	wrdreg $0x9  }
0x29: {  	_ =	task.clear_ibuf [dreg:s7], $0x5FFFF;
	_ =	strace $0x90000046  }
0x2a: {  	s29 =	simm.s32 $0x9;
	_ =	strace $0x80000048  }
0x2b: {  	_ =	swait.ge [sflag:s29], $0x1  }
0x2c: {  	[sflag:s29] =	ssyncadd.s32 $0xFFFFFFFF  }
0x2d: {  	_ =	strace $0x90000048  }
0x2e: {  	_ =	sfence  }
0x2f: {  	s30 =	sld [smem:$0x0];
	_ =	sdelay $0x2  }
0x30: {  	s31 =	sshll.u32 s1, $0xD;
	s1 =	sshrl.u32 s1, $0x2  }
0x31: {  	s3 =	sand.u32 $0x4000, s31;
	s1 =	sadd.s32 s1, s30  }
0x32: {  	s0 =	sor.u32 s3, s0;
	s1 =	sshll.u32 s1, $0x11  }
0x33: {  	s0 =	sor.u32 s1, s0  }
0x34: {  	s0 =	sadd.s32 $0x8F2B, s0  }
0x35: {  	[sflag:s0] =	ssyncadd.remote.s32 $0x1  }
0x36: {  	_ =	sfence.sel $0xFFFF  }
0x37: {  	[dreg:$0x0] =	wrdreg $0xFFFFFFFF;
	(pc) =	sbr.abs _section_cstart, $3  }
0x38: {  	[dreg:$0x1] =	wrdreg $0xFFFFFFFF  }
0x39: {  	_ =	task.clear_ibuf [dreg:s7], $0x2FFFF;
	_ =	strace $0x9FFFFFFF  }
0x3a: {  	(tm) =	ssettm $0x7FFFFFFF  }
0x3b: {  	_ =	shalt  }
tec
execute0_lowered:
.L_overlay_start_1:
0x0: {  	(tag) =	ssettag $0x1  }
0x1: {  	s0 =	srdreg.scid  }
0x2: {  	s1 =	sshll.u32 s0, $0x4  }
0x3: {  	s0 =	stileid.u32;
	s1 =	sand.u32 $0x10, s1  }
0x4: {  	s3 =	rddreg [dreg:$0x0];
	s1 =	sor.u32 s0, s1  }
0x5: {  	s6 =	rddreg [dreg:$0x1];
	s7 =	simm.s32 $0x2;
	s2 =	sshll.u32 s1, $0x7  }
0x6: {  	s14 =	simm.s32 $0x0;
	s8 =	simm.s32 $0x80;
	s1 =	ssub.s32 $0x4000, s2  }
0x7: {  	s9 =	simm.s32 $0xC00;
	s10 =	simm.s32 $0x0;
	s4 =	sand.u32 $0xF80, s1  }
0x8: {  	s15 =	simm.s32 $0x0;
	p0 =	sne.s32 s4, $0x0;
	s4 =	simm.s32 $0x1  }
.Ltmp0:
0x9: {  	s5 =	sshrl.u32 s1, $0xC;
	s4 =	simm.s32 @!p0 $0x0;
	(pc) =	sbr.rel .LBB1_1-.Ltmp0, $4  }
0xa: {  	s12 =	simm.s32 $0x0;
	s1 =	rddreg [dreg:$0x2];
	s5 =	sadd.s32 s4, s5  }
0xb: {  	_ =	strace $0x80000047;
	s4 =	simm.s32 $0x1;
	s5 =	smul.u32 $0x14, s5  }
0xc: {  	s13 =	simm.s32 $0x0;
	s6 =	sadd.s32 $0xC00, s6;
	[sflag:s4] =	ssyncpa.u1 $0x0  }
0xd: {  	s11 =	smov.u32 s2;
	[sflag:s7] =	ssyncpa.u1 $0x0;
	s7 =	sor.u32 $0x1, s5  }
.LBB1_4:
0xe: {  	_ =	sdelay $0x3  }
0xf: {  	[tilespmem:v0+s17+$0xFFFFFFA0 ss:$0x1] =	vst.idx.msk $0xffff, v6  }
0x10: {  	v56 =	vld.idx.msk [tilespmem:v1+s18+$0x30 ss:$0x1], $0xffff;
	[tilespmem:v0+s17+$0xFFFFFFB0 ss:$0x1] =	vst.idx.msk $0xffff, v4  }
0x11: {  	v57 =	vld.idx.msk [tilespmem:v1+s18+$0xFFFFFFC0 ss:$0x1], $0xffff;
	[tilespmem:v0+s17+$0xFFFFFFC0 ss:$0x1] =	vst.idx.msk $0xffff, v2  }
0x12: {  	v58 =	vld.idx.msk [tilespmem:v1+s18+$0xFFFFFFD0 ss:$0x1], $0xffff;
	[tilespmem:v0+s17+$0xFFFFFFD0 ss:$0x1] =	vst.idx.msk $0xffff, v3  }
0x13: {  	v59 =	vld.idx.msk [tilespmem:v1+s18+$0xFFFFFFE0 ss:$0x1], $0xffff;
	[tilespmem:v0+s17+$0xFFFFFFE0 ss:$0x1] =	vst.idx.msk $0xffff, v5  }
0x14: {  	v60 =	vld.idx.msk [tilespmem:v1+s18+$0xFFFFFFF0 ss:$0x1], $0xffff;
	[tilespmem:v0+s17+$0xFFFFFFF0 ss:$0x1] =	vst.idx.msk $0xffff, v7  }
0x15: {  	v61 =	vld.idx.msk [tilespmem:v1+s18+$0x0 ss:$0x1], $0xffff;
	s15 =	sand.u32 $0x1FFFFFF, s15;
	[tilespmem:v0+s18+$0x0 ss:$0x1] =	vst.idx.msk $0xffff, v56  }
0x16: {  	v62 =	vld.idx.msk [tilespmem:v1+s18+$0x10 ss:$0x1], $0xffff;
	s31 =	smulhi.u32 $0xAAAAAAB, s15;
	[tilespmem:v0+s18+$0xFFFFFF90 ss:$0x1] =	vst.idx.msk $0xffff, v57  }
0x17: {  	v63 =	vld.idx.msk [tilespmem:v1+s18+$0x20 ss:$0x1], $0xffff;
	[tilespmem:v0+s18+$0xFFFFFFA0 ss:$0x1] =	vst.idx.msk $0xffff, v58  }
0x18: {  	s17 =	smul.u32 $0x18, s31;
	[tilespmem:v0+s18+$0xFFFFFFB0 ss:$0x1] =	vst.idx.msk $0xffff, v59  }
0x19: {  	s14 =	smul.u32 $0x180, s14;
	[tilespmem:v0+s18+$0xFFFFFFC0 ss:$0x1] =	vst.idx.msk $0xffff, v60  }
0x1a: {  	[tilespmem:v0+s18+$0xFFFFFFD0 ss:$0x1] =	vst.idx.msk $0xffff, v61;
	s15 =	ssub.s32 s15, s17  }
0x1b: {  	s14 =	sadd.s32 s6, s14;
	[tilespmem:v0+s18+$0xFFFFFFE0 ss:$0x1] =	vst.idx.msk $0xffff, v62;
	s15 =	sshll.u32 s15, $0x4  }
0x1c: {  	[tilespmem:v0+s18+$0xFFFFFFF0 ss:$0x1] =	vst.idx.msk $0xffff, v63;
	s14 =	sadd.s32 s15, s14  }
0x1d: {  	[hbm4b:s14+s8] =	stream.strided.scatter [tilespmem:s16], [sflag:$0x2], $0x4000, s9, s8, $0x38;
	[tilespmem:$0x10000] =	vst v63  }
.LBB1_5:
0x1e: {  	s16 =	sadd.s32 $0x1000, s11  }
0x1f: {  	s14 =	simm.s32 $0x1;
	p1 =	sgt.s32 s16, $0x3FFF  }
0x20: {  	s14 =	simm.s32 @!p1 $0x0  }
0x21: {  	s18 =	sadd.s32 s14, s12  }
0x22: {  	s16 =	smov.u32 @p1 s2;
	p1 =	sgt.s32 s18, $0x13  }
0x23: {  	s18 =	simm.s32 @p1 $0x0;
	p1 =	sne.s32 s13, s7  }
.Ltmp1:
0x24: {  	p0 =	slt.u32 s13, $0x2;
	(pc) =	sbr.rel @!p1 .LBB1_6-.Ltmp1, $4  }
0x25: {  	s17 =	simm.s32 @!p0 $0x2  }
0x26: {  	s15 =	smov.u32 s12;
	s10 =	sadd.s32 $0x4000, s10;
	_ =	swait.ge @!p0 [sflag:s17], $0x4000  }
0x27: {  	[sflag:s17] =	ssyncset.done @!p0 $0x0;
	s14 =	smov.u32 s11;
	s11 =	smov.u32 s16  }
0x28: {  	[sflag:s17] =	ssyncadd.s32 @!p0 $0xFFFFC000;
	s13 =	sadd.s32 $0x1, s13;
	s12 =	smov.u32 s18  }
.LBB1_1:
0x29: {  	p0 =	sge.u32 s13, s5;
	s31 =	sadd.s32 $0xFFFFFFFF, s13  }
0x2a: {  	s16 =	sxor.u32 @!p0 $0xFFFFFFFF, s13;
	s17 =	sshll.u32 @!p0 s12, $0x12;
	s18 =	sshll.u32 @!p0 s11, $0x4  }
0x2b: {  	s16 =	sshll.u32 @!p0 s16, $0xE;
	s18 =	sand.u32 @!p0 $0x3FFF0, s18;
	s17 =	sadd.s32 @!p0 s3, s17  }
0x2c: {  	s16 =	sand.u32 @!p0 $0x4000, s16;
	s17 =	sadd.s32 @!p0 s18, s17;
	s18 =	simm.s32 @!p0 $0x0  }
0x2d: {  	[tilespmem:s16], [sflag:$0x1] =	stream.linear.gather @!p0 [hbm4b:s17+s18], $0x4000, $0x38;
	[tilespmem:$0x10000] =	vst v63  }
0x2e: {  	p0 =	sge.u32 s31, s5  }
.Ltmp2:
0x2f: {  	_ = 	snop;
	(pc) =	sbr.rel @p0 .LBB1_5-.Ltmp2, $1  }
0x30: {  	_ =	sdelay $0x3  }
0x31: {  	s16 =	sand.u32 $0x4000, s10  }
0x32: {  	s17 =	sor.u32 $0x40, s16  }
0x33: {  	v1 =	vmov s17;
	_ =	sdelay $0x1  }
0x34: {  	_ =	swait.ge [sflag:s4], $0x4000  }
0x35: {  	[sflag:s4] =	ssyncset.done $0x0  }
0x36: {  	[sflag:s4] =	ssyncadd.s32 $0xFFFFC000;
	s17 =	simm.s32 $0x0  }
0x37: {  	s16 =	sor.u32 $0x8070, s16;
	v7 =	vld.idx.msk [tilespmem:v1+s17+$0x30 ss:$0x1], $0xffff  }
0x38: {  	v0 =	vmov s16;
	v8 =	vld.idx.msk [tilespmem:v1+s17+$0xFFFFFFC0 ss:$0x1], $0xffff  }
0x39: {  	v6 =	vld.idx.msk [tilespmem:v1+s17+$0xFFFFFFD0 ss:$0x1], $0xffff  }
0x3a: {  	v4 =	vld.idx.msk [tilespmem:v1+s17+$0xFFFFFFE0 ss:$0x1], $0xffff  }
0x3b: {  	v2 =	vld.idx.msk [tilespmem:v1+s17+$0xFFFFFFF0 ss:$0x1], $0xffff  }
0x3c: {  	s31 =	sshll.u32 s13, $0xE;
	v3 =	vld.idx.msk [tilespmem:v1+s17+$0x0 ss:$0x1], $0xffff  }
0x3d: {  	s16 =	sand.u32 $0x4000, s31;
	v5 =	vld.idx.msk [tilespmem:v1+s17+$0x10 ss:$0x1], $0xffff;
	[tilespmem:v0+s17+$0x0 ss:$0x1] =	vst.idx.msk $0xffff, v7  }
0x3e: {  	s18 =	simm.s32 $0x80;
	s19 =	simm.s32 $0x400;
	s16 =	sor.u32 $0x8000, s16;
	[tilespmem:v0+s17+$0xFFFFFF90 ss:$0x1] =	vst.idx.msk $0xffff, v8;
	v7 =	vld.idx.msk [tilespmem:v1+s17+$0x20 ss:$0x1], $0xffff  }
.LBB1_3:
0x3f: {  	p0 =	sne.s32 s19, $0xFE00;
	v8 =	vld.idx.msk [tilespmem:v1+s18+$0x30 ss:$0x1], $0xffff;
	[tilespmem:v0+s17+$0xFFFFFFA0 ss:$0x1] =	vst.idx.msk $0xffff, v6  }
0x40: {  	v9 =	vld.idx.msk [tilespmem:v1+s18+$0xFFFFFFC0 ss:$0x1], $0xffff;
	[tilespmem:v0+s17+$0xFFFFFFB0 ss:$0x1] =	vst.idx.msk $0xffff, v4  }
0x41: {  	v6 =	vld.idx.msk [tilespmem:v1+s18+$0xFFFFFFD0 ss:$0x1], $0xffff;
	[tilespmem:v0+s17+$0xFFFFFFC0 ss:$0x1] =	vst.idx.msk $0xffff, v2  }
.Ltmp3:
0x42: {  	v4 =	vld.idx.msk [tilespmem:v1+s18+$0xFFFFFFE0 ss:$0x1], $0xffff;
	[tilespmem:v0+s17+$0xFFFFFFD0 ss:$0x1] =	vst.idx.msk $0xffff, v3;
	(pc) =	sbr.rel @p0 .LBB1_3-.Ltmp3, $4  }
0x43: {  	v2 =	vld.idx.msk [tilespmem:v1+s18+$0xFFFFFFF0 ss:$0x1], $0xffff;
	[tilespmem:v0+s17+$0xFFFFFFE0 ss:$0x1] =	vst.idx.msk $0xffff, v5  }
0x44: {  	v3 =	vld.idx.msk [tilespmem:v1+s18+$0x0 ss:$0x1], $0xffff;
	[tilespmem:v0+s17+$0xFFFFFFF0 ss:$0x1] =	vst.idx.msk $0xffff, v7;
	s17 =	smov.u32 s18  }
0x45: {  	v5 =	vld.idx.msk [tilespmem:v1+s17+$0x10 ss:$0x1], $0xffff;
	[tilespmem:v0+s17+$0x0 ss:$0x1] =	vst.idx.msk $0xffff, v8  }
0x46: {  	s18 =	sshra.s32 s19, $0x2;
	s19 =	sadd.s32 $0x200, s19;
	[tilespmem:v0+s17+$0xFFFFFF90 ss:$0x1] =	vst.idx.msk $0xffff, v9;
	v7 =	vld.idx.msk [tilespmem:v1+s17+$0x20 ss:$0x1], $0xffff  }
.Ltmp4:
0x47: {  	_ = 	snop;
	(pc) =	sbr.rel .LBB1_4-.Ltmp4, $1  }
0x48: {  	_ =	sdelay $0x3  }
.LBB1_6:
0x49: {  	_ =	sfence.sel $0x180000  }
0x4a: {  	s2 =	simm.s32 $0x1;
	[bflag:$0x0] =	sbarrier.arrive $0xFFFF  }
0x4b: {  	s31 =	simm.s32 $0x2;
	[sflag:s2] =	ssyncpa.u1 $0x1  }
0x4c: {  	[sflag:s31] =	ssyncpa.u1 $0x1  }
0x4d: {  	p0 =	sne.s32 s0, $0x0;
	_ =	strace $0x90000047  }
0x4e: {  	s0 =	sadd.s32 @!p0 $0x100000, s1;
	[bflag:$0x2] =	sbarrier.arrive $0xFFFF  }
0x4f: {  	[sflag:s0] =	ssyncadd.tile.s32 @!p0 $0x1;
	_ =	shalt  }
.Lfunc_end1:
_tile_overlayer_lowered:
.L_overlay_start_2:
0x50: {  	(tag) =	ssettag $0x2  }
0x51: {  	s0 =	rddreg [dreg:$0x0];
	s2 =	stileid.u32  }
0x52: {  	s1 =	rddreg [dreg:$0x1];
	p0 =	sne.s32 s2, $0x0  }
0x53: {  	s3 =	rddreg [dreg:$0x2];
	[bflag:$0x3] =	sbarrier.arrive $0xFFFF;
	s2 =	simm.s32 @!p0 $0x1C01  }
0x54: {  	[timem:s3], [sflag:s2] =	dma.local @!p0 [hbm:s0], s1  }
0x55: {  	s0 =	simm.s32 @!p0 $0x1  }
0x56: {  	_ =	swait.ge @!p0 [sflag:s0], s1  }
0x57: {  	s1 =	ssub.s32 @!p0 $0x0, s1;
	[sflag:s0] =	ssyncset.done @!p0 $0x0  }
0x58: {  	[sflag:s0] =	ssyncadd.s32 @!p0 s1  }
0x59: {  	[bflag:$0x3] =	sbarrier.arrive $0xFFFF  }
0x5a: {  	_ =	shalt  }

// kernel: sparse-core-data-format-call.cloned.1.call-start
scs
called_computation_lowered:
.L_overlay_start_0:
0x0: {  	s1 =	sld [smem:$0x3FD9]  }
0x1: {  	s2 =	sld [smem:$0x3FFE];
	_ =	sdelay $0x1  }
0x2: {  	s3 =	srdreg.scid  }
0x3: {  	s0 =	sand.u32 $0x1, s3  }
0x4: {  	s17 =	sshll.u32 s0, $0xA;
	s1 =	sadd.s32 s2, s1  }
0x5: {  	s1 =	sadd.s32 s1, s17  }
0x6: {  	[smem:$0x3FC3] =	sst s1  }
0x7: {  	_ = 	snop  }
0x8: {  	(tm) =	ssettm $0x1  }
0x9: {  	s18 =	sld [smem:$0x3FFB];
	_ =	sdelay $0x3  }
0xa: {  	_ =	strace s18  }
0xb: {  	s1 =	sld [smem:$0x3FFC];
	_ =	sdelay $0x3  }
0xc: {  	_ =	strace s1  }
0xd: {  	s1 =	sld [smem:$0x3FFD];
	_ =	sdelay $0x3  }
0xe: {  	_ =	strace s1  }
0xf: {  	_ =	strace $0x8FFFFFFF  }
0x10: {  	s19 =	sld [smem:$0x3FDB];
	_ =	sdelay $0x1  }
0x11: {  	s20 =	simm.s32 $_scs_section_size  }
0x12: {  	s4 =	simm.s32 $_size__tile_overlayer_lowered;
	s5 =	simm.s32 $_tile_overlayer_lowered  }
0x13: {  	s23 =	simm.s32 $0x1BFF;
	s22 =	sshll.u32 s5, $0x1;
	s1 =	sadd.s32 s20, s19  }
0x14: {  	s6 =	simm.s32 $0x0;
	s21 =	sshll.u32 s4, $0x1;
	s4 =	sadd.s32 s22, s1  }
0x15: {  	[timem:s6], [sflag:s23] =	dma.local [hbm:s4], s21  }
0x16: {  	_ =	swait.ge [sflag:s23], s21  }
0x17: {  	s2 =	ssub.s32 $0x0, s21;
	[sflag:s23] =	ssyncset.done $0x0  }
0x18: {  	[sflag:s23] =	ssyncadd.s32 s2;
	_ =	sdelay $0x1  }
0x19: {  	s24 =	simm.s32 $0x1B8B  }
0x1a: {  	_ =	swait.ge [sflag:s24], $0x1  }
0x1b: {  	[sflag:s24] =	ssyncset.done $0x0  }
0x1c: {  	s26 =	simm.s32 $0x1B8E;
	s25 =	sld [smem:$0x3FFE];
	[sflag:s24] =	ssyncadd.s32 $0xFFFFFFFF  }
0x1d: {  	s27 =	simm.s32 $execute0_lowered;
	[smem:$0x3FD2] =	sst s26  }
0x1e: {  	s4 =	sshll.u32 s27, $0x1;
	_ =	strace $0x80000049;
	[dreg:$0x1] =	wrdreg $0xFFFFFFFF  }
0x1f: {  	s28 =	simm.s32 $_size_execute0_lowered;
	s1 =	sadd.s32 s1, s4;
	[dreg:$0x0] =	wrdreg $0x0  }
0x20: {  	s4 =	sshll.u32 s28, $0x1;
	[dreg:$0x2] =	wrdreg s1  }
0x21: {  	[dreg:$0x3] =	wrdreg s4  }
0x22: {  	[dreg:$0x4] =	wrdreg $0xC0  }
0x23: {  	_ =	task [dreg:s6], $0x5FFFF  }
0x24: {  	[dreg:$0x1] =	wrdreg $0xFFFFFFFF  }
0x25: {  	[dreg:$0x0] =	wrdreg $0x60  }
0x26: {  	[dreg:$0x2] =	wrdreg s25  }
0x27: {  	[dreg:$0x3] =	wrdreg $0x9  }
0x28: {  	_ =	task.clear_ibuf [dreg:s6], $0x4FFFF;
	_ =	strace $0x90000049  }
0x29: {  	s29 =	simm.s32 $0x9;
	_ =	strace $0x8000004B  }
0x2a: {  	_ =	swait.ge [sflag:s29], $0x1  }
0x2b: {  	[sflag:s29] =	ssyncadd.s32 $0xFFFFFFFF  }
0x2c: {  	_ =	strace $0x9000004B  }
0x2d: {  	_ =	sfence  }
0x2e: {  	s30 =	sld [smem:$0x0];
	_ =	sdelay $0x2  }
0x2f: {  	s31 =	sshll.u32 s3, $0xD;
	s3 =	sshrl.u32 s3, $0x2  }
0x30: {  	s2 =	sand.u32 $0x4000, s31;
	s1 =	sadd.s32 s3, s30  }
0x31: {  	s0 =	sor.u32 s2, s0;
	s1 =	sshll.u32 s1, $0x11  }
0x32: {  	s0 =	sor.u32 s1, s0  }
0x33: {  	s0 =	sadd.s32 $0x8F2B, s0  }
0x34: {  	[sflag:s0] =	ssyncadd.remote.s32 $0x1  }
0x35: {  	_ =	sfence.sel $0xFFFF  }
0x36: {  	[dreg:$0x0] =	wrdreg $0xFFFFFFFF;
	(pc) =	sbr.abs _section_cstart, $3  }
0x37: {  	[dreg:$0x1] =	wrdreg $0xFFFFFFFF  }
0x38: {  	_ =	task.clear_ibuf [dreg:s6], $0x2FFFF;
	_ =	strace $0x9FFFFFFF  }
0x39: {  	(tm) =	ssettm $0x7FFFFFFF  }
tec
execute0_lowered:
.L_overlay_start_1:
0x0: {  	(tag) =	ssettag $0x1  }
0x1: {  	s0 =	srdreg.scid  }
0x2: {  	s1 =	sshll.u32 s0, $0x4  }
0x3: {  	s6 =	rddreg [dreg:$0x0];
	s0 =	stileid.u32;
	s1 =	sand.u32 $0x10, s1  }
0x4: {  	s7 =	simm.s32 $0x2;
	s15 =	simm.s32 $0x0;
	s1 =	sor.u32 s0, s1  }
0x5: {  	s8 =	simm.s32 $0x2000;
	s9 =	simm.s32 $0x6000;
	s2 =	sshll.u32 s1, $0x1  }
0x6: {  	s10 =	simm.s32 $0x0;
	s16 =	simm.s32 $0x0;
	s1 =	ssub.s32 $0x800, s2  }
0x7: {  	s17 =	simm.s32 $0x0;
	s11 =	simm.s32 $0x0;
	s3 =	sand.u32 $0x3E, s1  }
0x8: {  	s12 =	simm.s32 $0x0;
	p0 =	sne.s32 s3, $0x0;
	s3 =	simm.s32 $0x1  }
.Ltmp0:
0x9: {  	s4 =	sshrl.u32 s1, $0x6;
	s3 =	simm.s32 @!p0 $0x0;
	(pc) =	sbr.rel .LBB1_1-.Ltmp0, $4  }
0xa: {  	s14 =	simm.s32 $0x0;
	s1 =	rddreg [dreg:$0x1];
	s4 =	sadd.s32 s3, s4  }
0xb: {  	_ =	strace $0x8000004A;
	s3 =	simm.s32 $0x1;
	s4 =	smul.u32 $0x3, s4  }
0xc: {  	s5 =	sadd.s32 $0x600C00, s6;
	s6 =	sadd.s32 $0xC00, s6;
	[sflag:s3] =	ssyncpa.u1 $0x0  }
0xd: {  	s13 =	smov.u32 s2;
	[sflag:s7] =	ssyncpa.u1 $0x0;
	s7 =	sadd.s32 $0x1, s4  }
.LBB1_9:
0xe: {  	s18 =	sadd.s32 $0x8, s11  }
0xf: {  	s15 =	sadd.s32 $0x8, s12;
	s19 =	smov.u32 s12;
	p1 =	sgt.s32 s18, $0x17  }
0x10: {  	s19 =	smov.u32 @p1 s15  }
0x11: {  	s21 =	smov.u32 s13;
	s15 =	sadd.s32 $0x40, s13;
	p2 =	sgt.s32 s19, $0x7  }
0x12: {  	s21 =	smov.u32 @p2 s15  }
0x13: {  	s18 =	simm.s32 @p1 $0x0;
	p1 =	sgt.s32 s21, $0x7FF  }
0x14: {  	p0 =	slt.u32 s14, $0x2;
	s21 =	smov.u32 @p1 s2;
	p1 =	sne.s32 s14, s7  }
.Ltmp1:
0x15: {  	s20 =	simm.s32 @!p0 $0x2;
	(pc) =	sbr.rel @!p1 .LBB1_10-.Ltmp1, $4  }
0x16: {  	s16 =	smov.u32 s12;
	s17 =	smov.u32 s13;
	_ =	swait.ge @!p0 [sflag:s20], $0x4000  }
0x17: {  	s10 =	sadd.s32 $0x4000, s10;
	[sflag:s20] =	ssyncset.done @!p0 $0x0;
	s19 =	simm.s32 @p2 $0x0  }
0x18: {  	s15 =	smov.u32 s11;
	[sflag:s20] =	ssyncadd.s32 @!p0 $0xFFFFC000;
	s11 =	smov.u32 s18  }
0x19: {  	s12 =	smov.u32 s19;
	s14 =	sadd.s32 $0x1, s14;
	s13 =	smov.u32 s21  }
.LBB1_1:
0x1a: {  	p0 =	sge.u32 s14, s4  }
0x1b: {  	s18 =	sand.u32 @!p0 $0x1FFFFFF, s11;
	s20 =	smul.u32 @!p0 $0xC00, s13  }
0x1c: {  	s19 =	smulhi.u32 @!p0 $0xAAAAAAB, s18  }
0x1d: {  	s22 =	smul.u32 @!p0 $0x180, s12  }
0x1e: {  	s19 =	smul.u32 @!p0 $0x18, s19  }
0x1f: {  	s31 =	sadd.s32 $0xFFFFFFFF, s14;
	s20 =	sadd.s32 @!p0 s5, s20  }
0x20: {  	s21 =	sxor.u32 @!p0 $0xFFFFFFFF, s14;
	s20 =	sadd.s32 @!p0 s22, s20;
	s18 =	ssub.s32 @!p0 s18, s19  }
0x21: {  	s19 =	sshll.u32 @!p0 s21, $0xE;
	s21 =	simm.s32 @!p0 $0xC00;
	s18 =	sshll.u32 @!p0 s18, $0x4  }
0x22: {  	s19 =	sand.u32 @!p0 $0x4000, s19;
	s18 =	sadd.s32 @!p0 s18, s20;
	s20 =	simm.s32 @!p0 $0x400  }
0x23: {  	[tilespmem:s19], [sflag:$0x1] =	stream.strided.gather @!p0 [hbm4b:s18+s20], $0x4000, s21, s20, $0x38;
	[tilespmem:$0x10000] =	vst v63  }
0x24: {  	p0 =	sge.u32 s31, s4  }
.Ltmp2:
0x25: {  	_ = 	snop;
	(pc) =	sbr.rel @p0 .LBB1_9-.Ltmp2, $1  }
0x26: {  	_ =	sdelay $0x3  }
0x27: {  	s18 =	sshll.u32 s10, $0x2  }
0x28: {  	_ =	swait.ge [sflag:s3], $0x4000;
	s19 =	sshll.u32 s14, $0xE;
	s21 =	simm.s32 $0x0  }
0x29: {  	p1 =	por $0x1, $0x1;
	s18 =	sand.u32 $0x10000, s18;
	[sflag:s3] =	ssyncset.done $0x0  }
0x2a: {  	s19 =	sand.u32 $0x4000, s19;
	s20 =	sshrl.u32 s18, $0x2;
	[sflag:s3] =	ssyncadd.s32 $0xFFFFC000  }
0x2b: {  	s18 =	sor.u32 $0x8000, s19;
	s19 =	sadd.s32 $0x8040, s20;
	s20 =	sadd.s32 $0x40, s20  }
.LBB1_3:
0x2c: {  	s21 =	sshll.u32 s21, $0x2  }
0x2d: {  	p0 =	por p1, p1;
	s22 =	sshra.s32 s21, $0x2  }
0x2e: {  	s23 =	simm.s32 $0x0;
	s21 =	sadd.s32 s22, s19;
	s22 =	sadd.s32 s22, s20  }
.LBB1_4:
0x2f: {  	v0 =	vmov s22;
	_ =	sdelay $0x3  }
0x30: {  	s25 =	simm.s32 $0x0  }
0x31: {  	v6 =	vld.idx.msk [tilespmem:v0+s25+$0x30 ss:$0x1], $0xffff  }
0x32: {  	v7 =	vld.idx.msk [tilespmem:v0+s25+$0xFFFFFFC0 ss:$0x1], $0xffff  }
0x33: {  	v5 =	vld.idx.msk [tilespmem:v0+s25+$0xFFFFFFD0 ss:$0x1], $0xffff  }
0x34: {  	v4 =	vld.idx.msk [tilespmem:v0+s25+$0xFFFFFFE0 ss:$0x1], $0xffff  }
0x35: {  	v3 =	vld.idx.msk [tilespmem:v0+s25+$0xFFFFFFF0 ss:$0x1], $0xffff  }
0x36: {  	v1 =	vld.idx.msk [tilespmem:v0+s25+$0x0 ss:$0x1], $0xffff  }
0x37: {  	v2 =	vld.idx.msk [tilespmem:v0+s25+$0x10 ss:$0x1], $0xffff;
	[tilespmem:s21+$0x30] =	vst v6  }
0x38: {  	s24 =	simm.s32 $0x80;
	s26 =	simm.s32 $0x400;
	[tilespmem:s21+$0xFFFFFFC0] =	vst v7;
	v6 =	vld.idx.msk [tilespmem:v0+s25+$0x20 ss:$0x1], $0xffff;
	s25 =	smov.u32 s21  }
.LBB1_5:
0x39: {  	p1 =	sne.s32 s26, $0xE00;
	v7 =	vld.idx.msk [tilespmem:v0+s24+$0x30 ss:$0x1], $0xffff;
	[tilespmem:s25+$0xFFFFFFD0] =	vst v5  }
0x3a: {  	v8 =	vld.idx.msk [tilespmem:v0+s24+$0xFFFFFFC0 ss:$0x1], $0xffff;
	[tilespmem:s25+$0xFFFFFFE0] =	vst v4  }
0x3b: {  	v5 =	vld.idx.msk [tilespmem:v0+s24+$0xFFFFFFD0 ss:$0x1], $0xffff;
	[tilespmem:s25+$0xFFFFFFF0] =	vst v3  }
.Ltmp3:
0x3c: {  	v4 =	vld.idx.msk [tilespmem:v0+s24+$0xFFFFFFE0 ss:$0x1], $0xffff;
	[tilespmem:s25+$0x0] =	vst v1;
	(pc) =	sbr.rel @p1 .LBB1_5-.Ltmp3, $4  }
0x3d: {  	v3 =	vld.idx.msk [tilespmem:v0+s24+$0xFFFFFFF0 ss:$0x1], $0xffff;
	[tilespmem:s25+$0x10] =	vst v2  }
0x3e: {  	v1 =	vld.idx.msk [tilespmem:v0+s24+$0x0 ss:$0x1], $0xffff;
	[tilespmem:s25+$0x20] =	vst v6;
	s25 =	sadd.s32 $0x400, s25  }
0x3f: {  	v2 =	vld.idx.msk [tilespmem:v0+s24+$0x10 ss:$0x1], $0xffff;
	[tilespmem:s25+$0x30] =	vst v7  }
0x40: {  	[tilespmem:s25+$0xFFFFFFC0] =	vst v8;
	v6 =	vld.idx.msk [tilespmem:v0+s24+$0x20 ss:$0x1], $0xffff;
	s24 =	sshra.s32 s26, $0x2;
	s26 =	sadd.s32 $0x200, s26  }
0x41: {  	_ =	sdelay $0x2  }
0x42: {  	[tilespmem:s25+$0xFFFFFFD0] =	vst v5  }
0x43: {  	v56 =	vld.idx.msk [tilespmem:v0+s24+$0x30 ss:$0x1], $0xffff;
	[tilespmem:s25+$0xFFFFFFE0] =	vst v4  }
0x44: {  	v57 =	vld.idx.msk [tilespmem:v0+s24+$0xFFFFFFC0 ss:$0x1], $0xffff;
	[tilespmem:s25+$0xFFFFFFF0] =	vst v3  }
0x45: {  	v58 =	vld.idx.msk [tilespmem:v0+s24+$0xFFFFFFD0 ss:$0x1], $0xffff;
	[tilespmem:s25+$0x0] =	vst v1  }
0x46: {  	v59 =	vld.idx.msk [tilespmem:v0+s24+$0xFFFFFFE0 ss:$0x1], $0xffff;
	[tilespmem:s25+$0x10] =	vst v2  }
0x47: {  	v60 =	vld.idx.msk [tilespmem:v0+s24+$0xFFFFFFF0 ss:$0x1], $0xffff;
	s31 =	sadd.s32 $0x400, s25;
	[tilespmem:s25+$0x20] =	vst v6  }
0x48: {  	v61 =	vld.idx.msk [tilespmem:v0+s24+$0x0 ss:$0x1], $0xffff;
	[tilespmem:s31+$0x30] =	vst v56  }
0x49: {  	v62 =	vld.idx.msk [tilespmem:v0+s24+$0x10 ss:$0x1], $0xffff;
	s23 =	sadd.s32 $0x1, s23;
	[tilespmem:s31+$0xFFFFFFC0] =	vst v57  }
0x4a: {  	v63 =	vld.idx.msk [tilespmem:v0+s24+$0x20 ss:$0x1], $0xffff;
	p1 =	sne.s32 s23, $0x8;
	[tilespmem:s31+$0xFFFFFFD0] =	vst v58  }
.Ltmp4:
0x4b: {  	[tilespmem:s31+$0xFFFFFFE0] =	vst v59;
	(pc) =	sbr.rel @p1 .LBB1_4-.Ltmp4, $4  }
0x4c: {  	[tilespmem:s31+$0xFFFFFFF0] =	vst v60  }
0x4d: {  	[tilespmem:s31+$0x0] =	vst v61  }
0x4e: {  	[tilespmem:s31+$0x10] =	vst v62  }
0x4f: {  	s21 =	sadd.s32 $0x80, s21;
	s22 =	sadd.s32 $0x400, s22;
	[tilespmem:s31+$0x20] =	vst v63  }
.Ltmp5:
0x50: {  	(pc) =	sbr.rel @p0 .LBB1_3-.Ltmp5, $2  }
0x51: {  	_ =	sdelay $0x2  }
0x52: {  	s21 =	simm.s32 $0x2000;
	p1 =	por $0x0, $0x0  }
0x53: {  	s17 =	smul.u32 $0xC00, s17  }
.Ltmp6:
0x54: {  	_ = 	snop;
	(pc) =	sbr.rel .LBB1_9-.Ltmp6, $4  }
0x55: {  	s15 =	sshll.u32 s15, $0x7;
	s16 =	sshll.u32 s16, $0x4;
	s17 =	sadd.s32 s6, s17  }
0x56: {  	s16 =	sand.u32 $0x70, s16;
	s15 =	sadd.s32 s15, s17  }
0x57: {  	s15 =	sadd.s32 s16, s15  }
0x58: {  	[hbm4b:s15+s8] =	stream.strided.scatter [tilespmem:s18], [sflag:$0x2], $0x4000, s9, s8, $0x38;
	[tilespmem:$0x10000] =	vst v63  }
.LBB1_10:
0x59: {  	_ =	sfence.sel $0x180000  }
0x5a: {  	s2 =	simm.s32 $0x1;
	[bflag:$0x0] =	sbarrier.arrive $0xFFFF  }
0x5b: {  	s31 =	simm.s32 $0x2;
	[sflag:s2] =	ssyncpa.u1 $0x1  }
0x5c: {  	[sflag:s31] =	ssyncpa.u1 $0x1  }
0x5d: {  	p0 =	sne.s32 s0, $0x0;
	_ =	strace $0x9000004A  }
0x5e: {  	s0 =	sadd.s32 @!p0 $0x100000, s1;
	[bflag:$0x2] =	sbarrier.arrive $0xFFFF  }
0x5f: {  	[sflag:s0] =	ssyncadd.tile.s32 @!p0 $0x1;
	_ =	shalt  }
.Lfunc_end1:
_tile_overlayer_lowered:
.L_overlay_start_2:
0x60: {  	(tag) =	ssettag $0x2  }
0x61: {  	s0 =	rddreg [dreg:$0x0];
	s2 =	stileid.u32  }
0x62: {  	s1 =	rddreg [dreg:$0x1];
	p0 =	sne.s32 s2, $0x0  }
0x63: {  	s3 =	rddreg [dreg:$0x2];
	[bflag:$0x3] =	sbarrier.arrive $0xFFFF;
	s2 =	simm.s32 @!p0 $0x1C01  }
0x64: {  	[timem:s3], [sflag:s2] =	dma.local @!p0 [hbm:s0], s1  }
0x65: {  	s0 =	simm.s32 @!p0 $0x1  }
0x66: {  	_ =	swait.ge @!p0 [sflag:s0], s1  }
0x67: {  	s1 =	ssub.s32 @!p0 $0x0, s1;
	[sflag:s0] =	ssyncset.done @!p0 $0x0  }
0x68: {  	[sflag:s0] =	ssyncadd.s32 @!p0 s1  }
0x69: {  	[bflag:$0x3] =	sbarrier.arrive $0xFFFF  }
0x6a: {  	_ =	shalt  }

</sc_bundles>
